<compile_context>
chip_gen: v7x
topology: tpu7x:2x2x1
jax: 0.10.2.dev20260603
libtpu: 0.0.44.dev20260713+nightly
codegen_flags: <defaults>
</compile_context>

<pallas_src>
import functools

import jax
import jax.numpy as jnp
from jax import lax
from jax.experimental import pallas as pl
from jax.experimental.pallas import tpu as pltpu
from jax.experimental.pallas import tpu_sc as plsc

S, B, M = 256, 128, 21
V_CHAR, E_CHAR, E_WORD = 96, 30, 128
KW = 5
N = S * B
T_OUT = 19
EC_PAD = 32
EC_PK = EC_PAD // 2
MP = 24

NC, NS = 2, 16
NW = NC * NS
GROWS = 1024
NCHUNK = 2
NWRD = N // NCHUNK
NW_CHARS = NWRD * MP // NW
NG = NW_CHARS // GROWS


def _sc_gather(table, idx):
    mesh = plsc.VectorSubcoreMesh(core_axis_name="c", subcore_axis_name="s")

    @functools.partial(
        pl.kernel,
        mesh=mesh,
        compiler_params=pltpu.CompilerParams(
            use_tc_tiling_on_sc=False, needs_layout_passes=False),
        out_type=jax.ShapeDtypeStruct((NWRD * MP, EC_PK), jnp.int32),
        scratch_types=[
            pltpu.VMEM((V_CHAR * EC_PK,), jnp.int32),
            pltpu.VMEM((NW_CHARS,), jnp.int32),
            pltpu.VMEM((GROWS, EC_PK), jnp.int32),
            pltpu.VMEM((GROWS, EC_PK), jnp.int32),
            pltpu.SemaphoreType.DMA,
            pltpu.SemaphoreType.DMA,
        ],
    )
    def run(table_hbm, idx_hbm, out_hbm, table_v, idx_v, buf_a, buf_b, soa, sob):
        wid = lax.axis_index("s") * NC + lax.axis_index("c")
        pltpu.sync_copy(table_hbm, table_v)
        pltpu.sync_copy(idx_hbm.at[wid], idx_v)
        base = wid * NW_CHARS
        bufs, sos = (buf_a, buf_b), (soa, sob)
        lanes = lax.iota(jnp.int32, 16)

        def block16(buf, g, k):
            cv = idx_v[pl.ds(g * GROWS + k * 16, 16)]
            addr = cv * EC_PK
            rows = k * 16 + lanes
            for e in range(EC_PK):
                vals = plsc.load_gather(table_v, [addr + e])
                plsc.store_scatter(buf, [rows, lanes * 0 + e], vals)

        def pair_body(i, carry):
            for p in range(2):
                g = 2 * i + p
                buf, so = bufs[p], sos[p]

                @pl.when(g >= 2)
                def _():
                    pltpu.make_async_copy(
                        out_hbm.at[pl.ds(base, GROWS)], buf, so).wait()

                def kbody(k, c):
                    block16(buf, g, k)
                    return c

                lax.fori_loop(0, GROWS // 16, kbody, 0)
                pltpu.async_copy(
                    buf, out_hbm.at[pl.ds(base + g * GROWS, GROWS)], so)
            return carry

        lax.fori_loop(0, NG // 2, pair_body, 0)
        for p in range(2):
            pltpu.make_async_copy(
                out_hbm.at[pl.ds(base, GROWS)], bufs[p], sos[p]).wait()

    return run(table, idx)


def _tc_body(x_ref, wc_ref, cb_ref, whw_ref, bhw_ref, o_ref, *, nb):
    xi = x_ref[...]
    xe = lax.bitcast_convert_type(xi << 16, jnp.float32).astype(jnp.bfloat16)
    xo = lax.bitcast_convert_type(
        xi & jnp.int32(-65536), jnp.float32).astype(jnp.bfloat16)
    m = None
    for t in range(T_OUT):
        xt = jnp.concatenate(
            [xe[:, 16 * t:16 * t + 80], xo[:, 16 * t:16 * t + 80]],
            axis=1)
        zt = jnp.dot(xt, wc_ref[...], preferred_element_type=jnp.float32)
        m = zt if m is None else jnp.maximum(m, zt)
    xc = jnp.maximum(m + cb_ref[...], 0.0)
    hw = jnp.dot(xc, whw_ref[...], preferred_element_type=jnp.float32) + bhw_ref[...]
    proj = jnp.maximum(hw[:, :E_WORD], 0.0)
    gate = 1.0 / (1.0 + jnp.exp(-hw[:, E_WORD:]))
    o_ref[...] = gate * proj + (1.0 - gate) * xc


def kernel(input, char_emb, conv_w, conv_b, w_proj, b_proj, w_gate, b_gate):
    nb = 128
    ce = jnp.pad(char_emb, ((0, 0), (0, EC_PAD - E_CHAR)))
    ce_u16 = lax.bitcast_convert_type(ce.astype(jnp.bfloat16), jnp.uint16)
    ce_pk = (ce_u16[:, 0::2].astype(jnp.uint32)
             | (ce_u16[:, 1::2].astype(jnp.uint32) << 16)).astype(jnp.int32)
    wcp = jnp.pad(conv_w, ((0, 0), (0, EC_PAD - E_CHAR), (0, 0)))
    wc = jnp.concatenate([wcp[:, 0::2, :].reshape(KW * EC_PK, E_WORD),
                          wcp[:, 1::2, :].reshape(KW * EC_PK, E_WORD)],
                         axis=0).astype(jnp.bfloat16)
    whw = jnp.concatenate([w_proj.T, w_gate.T], axis=1)
    bhw = jnp.concatenate([b_proj, b_gate])[None, :]
    cb = conv_b[None, :]

    idx_pad = jnp.pad(input.reshape(N, M), ((0, 0), (1, MP - M - 1)))

    tc_call = pl.pallas_call(
        functools.partial(_tc_body, nb=nb),
        grid=(NWRD // nb,),
        in_specs=[
            pl.BlockSpec((nb, MP * EC_PK), lambda i: (i, 0)),
            pl.BlockSpec((KW * EC_PK * 2, E_WORD), lambda i: (0, 0)),
            pl.BlockSpec((1, E_WORD), lambda i: (0, 0)),
            pl.BlockSpec((E_WORD, 2 * E_WORD), lambda i: (0, 0)),
            pl.BlockSpec((1, 2 * E_WORD), lambda i: (0, 0)),
        ],
        out_specs=pl.BlockSpec((nb, E_WORD), lambda i: (i, 0)),
        out_shape=jax.ShapeDtypeStruct((NWRD, E_WORD), jnp.float32),
    )
    gathered = []
    for c in range(NCHUNK):
        idx_c = lax.slice_in_dim(idx_pad, c * NWRD, (c + 1) * NWRD)
        x_pk = _sc_gather(ce_pk.reshape(-1), idx_c.reshape(NW, NW_CHARS))
        gathered.append(x_pk.reshape(NWRD, MP * EC_PK))
    outs = [tc_call(x_pk, wc, cb, whw, bhw) for x_pk in gathered]
    return jnp.concatenate(outs, axis=0).reshape(S, B, E_WORD)

# --- scband reference (transcript-rebuilt; emitter-appended) ---
"""Pipeline reference for scband-model-embeddings-54133767799071 (READ-ONLY COPY).

The authoritative reference and input builder live on the scoring server;
editing this copy changes nothing except your own understanding.
"""

import jax, jax.numpy as jnp
import numpy as np

S, B, M = 256, 128, 21
V_CHAR, E_CHAR, E_WORD, K, PAD = 96, 30, 128, 5, 1


def setup_inputs(seed: int = 0) -> dict:
    key = jax.random.key(seed)
    ks = jax.random.split(key, 8)
    inp = jax.random.randint(ks[0], (S, B, M), 0, V_CHAR, dtype=jnp.int32)
    char_emb = jax.random.normal(ks[1], (V_CHAR, E_CHAR), dtype=jnp.float32) * 0.1
    char_emb = char_emb.at[0].set(0.0)  # padding_idx = 0
    conv_w = jax.random.normal(ks[2], (K, E_CHAR, E_WORD), dtype=jnp.float32) * 0.05  # WIO layout
    conv_b = jax.random.normal(ks[3], (E_WORD,), dtype=jnp.float32) * 0.01
    w_proj = jax.random.normal(ks[4], (E_WORD, E_WORD), dtype=jnp.float32) * 0.05
    b_proj = jnp.zeros((E_WORD,), dtype=jnp.float32)
    w_gate = jax.random.normal(ks[5], (E_WORD, E_WORD), dtype=jnp.float32) * 0.05
    b_gate = jnp.zeros((E_WORD,), dtype=jnp.float32)
    return {"input": inp, "char_emb": char_emb, "conv_w": conv_w, "conv_b": conv_b,
            "w_proj": w_proj, "b_proj": b_proj, "w_gate": w_gate, "b_gate": b_gate}


def reference(input, char_emb, conv_w, conv_b, w_proj, b_proj, w_gate, b_gate):
    # Character embedding lookup: (S, B, M) -> (S, B, M, E_CHAR)
    x_emb = jnp.take(char_emb, input, axis=0)
    s, b, m, e = x_emb.shape
    x = x_emb.reshape(s * b, m, e)
    # CNN over character positions: Conv1d(e_char -> word_embed_size, k=5, pad=1)
    y = jax.lax.conv_general_dilated(
        x, conv_w, window_strides=(1,), padding=[(PAD, PAD)],
        dimension_numbers=("NWC", "WIO", "NWC"))
    y = y + conv_b
    y = jax.nn.relu(y)
    # max-pool over time -> (N, E_WORD)
    xconv = jnp.max(y, axis=1)
    # Highway network
    proj = jax.nn.relu(xconv @ w_proj.T + b_proj)
    gate = jax.nn.sigmoid(xconv @ w_gate.T + b_gate)
    xhighway = gate * proj + (1.0 - gate) * xconv
    # dropout_rate=0.0 (eval mode) -> identity
    return xhighway.reshape(s, b, E_WORD)

if __name__ == "__main__":
    import jax
    _d = setup_inputs()
    print(jax.jit(kernel)(*tuple(_d.values())))

</pallas_src>

<mosaic_0001>
#map = affine_map<(d0, d1) -> (0)>
#map1 = affine_map<(d0, d1) -> (0, 0)>
module attributes {stable_mosaic.version = 14 : i64} {
  func.func @run(%arg0: i32, %arg1: i32, %arg2: memref<1536xi32, #tpu.memory_space<hbm>>, %arg3: memref<32x12288xi32, #tpu.memory_space<hbm>>, %arg4: memref<393216x16xi32, #tpu.memory_space<hbm>>, %arg5: memref<1536xi32, #tpu.memory_space<vmem>>, %arg6: memref<12288xi32, #tpu.memory_space<vmem>>, %arg7: memref<1024x16xi32, #tpu.memory_space<vmem>>, %arg8: memref<1024x16xi32, #tpu.memory_space<vmem>>, %arg9: memref<!tpu.dma_semaphore, #tpu.memory_space<semaphore_mem>>, %arg10: memref<!tpu.dma_semaphore, #tpu.memory_space<semaphore_mem>>) attributes {dimension_semantics = [#tpu.dimension_semantics<core_parallel>, #tpu.dimension_semantics<subcore_parallel>], iteration_bounds = array<i64: 2, 16>, scalar_prefetch = 0 : i64, scratch_operands = 6 : i64, tpu.core_type = #tpu.core_type<sc_vector_subcore>, window_params = [{transform_indices = #map}, {transform_indices = #map1}, {transform_indices = #map1}]} {
    %mul3A = arith.constant 2 : i32
    %mul3A_0 = arith.muli %arg1, %mul3A : i32
    %add3A = arith.addi %mul3A_0, %arg0 : i32
    "tpu.region"() ({
      %run_scoped3A = tpu.sem_alloc : memref<!tpu.dma_semaphore, #tpu.memory_space<semaphore_mem>>
      tpu.enqueue_dma source(%arg2 : memref<1536xi32, #tpu.memory_space<hbm>>) target(%arg5 : memref<1536xi32, #tpu.memory_space<vmem>>) target_semaphore(%run_scoped3A : memref<!tpu.dma_semaphore, #tpu.memory_space<semaphore_mem>>)
      tpu.wait_dma2 semaphore(%run_scoped3A : memref<!tpu.dma_semaphore, #tpu.memory_space<semaphore_mem>>) src(%arg2 : memref<1536xi32, #tpu.memory_space<hbm>>) dst(%arg5 : memref<1536xi32, #tpu.memory_space<vmem>>)
      tpu.yield
    }) : () -> ()
    "tpu.region"() ({
      %run_scoped3A = tpu.sem_alloc : memref<!tpu.dma_semaphore, #tpu.memory_space<semaphore_mem>>
      %dma_start3A = arith.constant 0 : i32
      %dma_start3A_15 = tpu.memref_slice %arg3[%add3A, %dma_start3A] : memref<32x12288xi32, #tpu.memory_space<hbm>> -> memref<1x12288xi32, #tpu.memory_space<hbm>>
      %dma_start3A_16 = tpu.memref_squeeze %dma_start3A_15 : memref<1x12288xi32, #tpu.memory_space<hbm>> -> memref<12288xi32, #tpu.memory_space<hbm>>
      %dma_start3A_17 = arith.constant 0 : i32
      %dma_start3A_18 = tpu.memref_slice %arg3[%add3A, %dma_start3A_17] : memref<32x12288xi32, #tpu.memory_space<hbm>> -> memref<1x12288xi32, #tpu.memory_space<hbm>>
      %dma_start3A_19 = tpu.memref_squeeze %dma_start3A_18 : memref<1x12288xi32, #tpu.memory_space<hbm>> -> memref<12288xi32, #tpu.memory_space<hbm>>
      tpu.enqueue_dma source(%dma_start3A_19 : memref<12288xi32, #tpu.memory_space<hbm>>) target(%arg6 : memref<12288xi32, #tpu.memory_space<vmem>>) target_semaphore(%run_scoped3A : memref<!tpu.dma_semaphore, #tpu.memory_space<semaphore_mem>>)
      %dma_wait3A_20 = arith.constant 0 : i32
      %dma_wait3A_21 = tpu.memref_slice %arg3[%add3A, %dma_wait3A_20] : memref<32x12288xi32, #tpu.memory_space<hbm>> -> memref<1x12288xi32, #tpu.memory_space<hbm>>
      %dma_wait3A_22 = tpu.memref_squeeze %dma_wait3A_21 : memref<1x12288xi32, #tpu.memory_space<hbm>> -> memref<12288xi32, #tpu.memory_space<hbm>>
      %dma_wait3A_23 = arith.constant 0 : i32
      %dma_wait3A_24 = tpu.memref_slice %arg3[%add3A, %dma_wait3A_23] : memref<32x12288xi32, #tpu.memory_space<hbm>> -> memref<1x12288xi32, #tpu.memory_space<hbm>>
      %dma_wait3A_25 = tpu.memref_squeeze %dma_wait3A_24 : memref<1x12288xi32, #tpu.memory_space<hbm>> -> memref<12288xi32, #tpu.memory_space<hbm>>
      tpu.wait_dma2 semaphore(%run_scoped3A : memref<!tpu.dma_semaphore, #tpu.memory_space<semaphore_mem>>) src(%dma_wait3A_25 : memref<12288xi32, #tpu.memory_space<hbm>>) dst(%arg6 : memref<12288xi32, #tpu.memory_space<vmem>>)
      tpu.yield
    }) : () -> ()
    %mul3A_1 = arith.constant 12288 : i32
    %mul3A_2 = arith.muli %add3A, %mul3A_1 : i32
    %iota3A = tpu.iota {dimensions = array<i32: 0>} : vector<16xi32>
    %scan3A = arith.constant 0 : i32
    %scan3A_3 = arith.constant 0 : i32
    %scan3A_4 = arith.constant 6 : i32
    %scan3A_5 = arith.addi %scan3A_3, %scan3A_4 : i32
    %scan3A_6 = arith.constant 1 : i32
    scf.for %scan3A_15 = %scan3A_3 to %scan3A_5 step %scan3A_6  : i32 {
      %mul3A_16 = arith.constant 2 : i32
      %mul3A_17 = arith.muli %mul3A_16, %scan3A_15 : i32
      %add3A_18 = arith.constant 0 : i32
      %add3A_19 = arith.addi %mul3A_17, %add3A_18 : i32
      %ge3A = arith.constant 2 : i32
      %ge3A_20 = arith.cmpi sge, %add3A_19, %ge3A : i32
      %convert_element_type3A = arith.extui %ge3A_20 : i1 to i32
      %cond3A = arith.constant 0 : i32
      %cond3A_21 = arith.cmpi ne, %convert_element_type3A, %cond3A : i32
      scf.if %cond3A_21 {
        %dma_wait3A_56 = arith.constant 0 : i32
        %dma_wait3A_57 = tpu.memref_slice %arg4[%mul3A_2, %dma_wait3A_56] : memref<393216x16xi32, #tpu.memory_space<hbm>> -> memref<1024x16xi32, #tpu.memory_space<hbm>>
        %dma_wait3A_58 = arith.constant 0 : i32
        %dma_wait3A_59 = tpu.memref_slice %arg4[%mul3A_2, %dma_wait3A_58] : memref<393216x16xi32, #tpu.memory_space<hbm>> -> memref<1024x16xi32, #tpu.memory_space<hbm>>
        tpu.wait_dma2 semaphore(%arg9 : memref<!tpu.dma_semaphore, #tpu.memory_space<semaphore_mem>>) src(%dma_wait3A_59 : memref<1024x16xi32, #tpu.memory_space<hbm>>) dst(%arg7 : memref<1024x16xi32, #tpu.memory_space<vmem>>)
      } else {
      }
      %scan3A_22 = arith.constant 0 : i32
      %scan3A_23 = arith.constant 0 : i32
      %scan3A_24 = arith.constant 64 : i32
      %scan3A_25 = arith.addi %scan3A_23, %scan3A_24 : i32
      %scan3A_26 = arith.constant 1 : i32
      scf.for %scan3A_56 = %scan3A_23 to %scan3A_25 step %scan3A_26  : i32 {
        %mul3A_57 = arith.constant 1024 : i32
        %mul3A_58 = arith.muli %add3A_19, %mul3A_57 : i32
        %mul3A_59 = arith.constant 16 : i32
        %mul3A_60 = arith.muli %scan3A_56, %mul3A_59 : i32
        %add3A_61 = arith.addi %mul3A_58, %mul3A_60 : i32
        %get3A = arith.index_cast %add3A_61 : i32 to index
        %get3A_62 = tpu.vector_load %arg6[%get3A] {strides = array<i32>} : memref<12288xi32, #tpu.memory_space<vmem>>, vector<16xi32>,
        %mul3A_63 = arith.constant 16 : i32
        %mul3A_64 = vector.broadcast %mul3A_63 : i32 to vector<16xi32>
        %mul3A_65 = arith.muli %get3A_62, %mul3A_64 : vector<16xi32>
        %mul3A_66 = arith.constant 16 : i32
        %mul3A_67 = arith.muli %scan3A_56, %mul3A_66 : i32
        %add3A_68 = vector.broadcast %mul3A_67 : i32 to vector<16xi32>
        %add3A_69 = arith.addi %add3A_68, %iota3A : vector<16xi32>
        %add3A_70 = arith.constant 0 : i32
        %add3A_71 = vector.broadcast %add3A_70 : i32 to vector<16xi32>
        %add3A_72 = arith.addi %mul3A_65, %add3A_71 : vector<16xi32>
        %gather3A = tpu.vector_load_idx %arg5[%add3A_72] : memref<1536xi32, #tpu.memory_space<vmem>>[vector<16xi32>], vector<16xi32>,
        %mul3A_73 = arith.constant 0 : i32
        %mul3A_74 = vector.broadcast %mul3A_73 : i32 to vector<16xi32>
        %mul3A_75 = arith.muli %iota3A, %mul3A_74 : vector<16xi32>
        %add3A_76 = arith.constant 0 : i32
        %add3A_77 = vector.broadcast %add3A_76 : i32 to vector<16xi32>
        %add3A_78 = arith.addi %mul3A_75, %add3A_77 : vector<16xi32>
        tpu.vector_store_idx %arg7[%add3A_69, %add3A_78], %gather3A : memref<1024x16xi32, #tpu.memory_space<vmem>>[vector<16xi32>, vector<16xi32>], vector<16xi32>,
        %add3A_79 = arith.constant 1 : i32
        %add3A_80 = vector.broadcast %add3A_79 : i32 to vector<16xi32>
        %add3A_81 = arith.addi %mul3A_65, %add3A_80 : vector<16xi32>
        %gather3A_82 = tpu.vector_load_idx %arg5[%add3A_81] : memref<1536xi32, #tpu.memory_space<vmem>>[vector<16xi32>], vector<16xi32>,
        %mul3A_83 = arith.constant 0 : i32
        %mul3A_84 = vector.broadcast %mul3A_83 : i32 to vector<16xi32>
        %mul3A_85 = arith.muli %iota3A, %mul3A_84 : vector<16xi32>
        %add3A_86 = arith.constant 1 : i32
        %add3A_87 = vector.broadcast %add3A_86 : i32 to vector<16xi32>
        %add3A_88 = arith.addi %mul3A_85, %add3A_87 : vector<16xi32>
        tpu.vector_store_idx %arg7[%add3A_69, %add3A_88], %gather3A_82 : memref<1024x16xi32, #tpu.memory_space<vmem>>[vector<16xi32>, vector<16xi32>], vector<16xi32>,
        %add3A_89 = arith.constant 2 : i32
        %add3A_90 = vector.broadcast %add3A_89 : i32 to vector<16xi32>
        %add3A_91 = arith.addi %mul3A_65, %add3A_90 : vector<16xi32>
        %gather3A_92 = tpu.vector_load_idx %arg5[%add3A_91] : memref<1536xi32, #tpu.memory_space<vmem>>[vector<16xi32>], vector<16xi32>,
        %mul3A_93 = arith.constant 0 : i32
        %mul3A_94 = vector.broadcast %mul3A_93 : i32 to vector<16xi32>
        %mul3A_95 = arith.muli %iota3A, %mul3A_94 : vector<16xi32>
        %add3A_96 = arith.constant 2 : i32
        %add3A_97 = vector.broadcast %add3A_96 : i32 to vector<16xi32>
        %add3A_98 = arith.addi %mul3A_95, %add3A_97 : vector<16xi32>
        tpu.vector_store_idx %arg7[%add3A_69, %add3A_98], %gather3A_92 : memref<1024x16xi32, #tpu.memory_space<vmem>>[vector<16xi32>, vector<16xi32>], vector<16xi32>,
        %add3A_99 = arith.constant 3 : i32
        %add3A_100 = vector.broadcast %add3A_99 : i32 to vector<16xi32>
        %add3A_101 = arith.addi %mul3A_65, %add3A_100 : vector<16xi32>
        %gather3A_102 = tpu.vector_load_idx %arg5[%add3A_101] : memref<1536xi32, #tpu.memory_space<vmem>>[vector<16xi32>], vector<16xi32>,
        %mul3A_103 = arith.constant 0 : i32
        %mul3A_104 = vector.broadcast %mul3A_103 : i32 to vector<16xi32>
        %mul3A_105 = arith.muli %iota3A, %mul3A_104 : vector<16xi32>
        %add3A_106 = arith.constant 3 : i32
        %add3A_107 = vector.broadcast %add3A_106 : i32 to vector<16xi32>
        %add3A_108 = arith.addi %mul3A_105, %add3A_107 : vector<16xi32>
        tpu.vector_store_idx %arg7[%add3A_69, %add3A_108], %gather3A_102 : memref<1024x16xi32, #tpu.memory_space<vmem>>[vector<16xi32>, vector<16xi32>], vector<16xi32>,
        %add3A_109 = arith.constant 4 : i32
        %add3A_110 = vector.broadcast %add3A_109 : i32 to vector<16xi32>
        %add3A_111 = arith.addi %mul3A_65, %add3A_110 : vector<16xi32>
        %gather3A_112 = tpu.vector_load_idx %arg5[%add3A_111] : memref<1536xi32, #tpu.memory_space<vmem>>[vector<16xi32>], vector<16xi32>,
        %mul3A_113 = arith.constant 0 : i32
        %mul3A_114 = vector.broadcast %mul3A_113 : i32 to vector<16xi32>
        %mul3A_115 = arith.muli %iota3A, %mul3A_114 : vector<16xi32>
        %add3A_116 = arith.constant 4 : i32
        %add3A_117 = vector.broadcast %add3A_116 : i32 to vector<16xi32>
        %add3A_118 = arith.addi %mul3A_115, %add3A_117 : vector<16xi32>
        tpu.vector_store_idx %arg7[%add3A_69, %add3A_118], %gather3A_112 : memref<1024x16xi32, #tpu.memory_space<vmem>>[vector<16xi32>, vector<16xi32>], vector<16xi32>,
        %add3A_119 = arith.constant 5 : i32
        %add3A_120 = vector.broadcast %add3A_119 : i32 to vector<16xi32>
        %add3A_121 = arith.addi %mul3A_65, %add3A_120 : vector<16xi32>
        %gather3A_122 = tpu.vector_load_idx %arg5[%add3A_121] : memref<1536xi32, #tpu.memory_space<vmem>>[vector<16xi32>], vector<16xi32>,
        %mul3A_123 = arith.constant 0 : i32
        %mul3A_124 = vector.broadcast %mul3A_123 : i32 to vector<16xi32>
        %mul3A_125 = arith.muli %iota3A, %mul3A_124 : vector<16xi32>
        %add3A_126 = arith.constant 5 : i32
        %add3A_127 = vector.broadcast %add3A_126 : i32 to vector<16xi32>
        %add3A_128 = arith.addi %mul3A_125, %add3A_127 : vector<16xi32>
        tpu.vector_store_idx %arg7[%add3A_69, %add3A_128], %gather3A_122 : memref<1024x16xi32, #tpu.memory_space<vmem>>[vector<16xi32>, vector<16xi32>], vector<16xi32>,
        %add3A_129 = arith.constant 6 : i32
        %add3A_130 = vector.broadcast %add3A_129 : i32 to vector<16xi32>
        %add3A_131 = arith.addi %mul3A_65, %add3A_130 : vector<16xi32>
        %gather3A_132 = tpu.vector_load_idx %arg5[%add3A_131] : memref<1536xi32, #tpu.memory_space<vmem>>[vector<16xi32>], vector<16xi32>,
        %mul3A_133 = arith.constant 0 : i32
        %mul3A_134 = vector.broadcast %mul3A_133 : i32 to vector<16xi32>
        %mul3A_135 = arith.muli %iota3A, %mul3A_134 : vector<16xi32>
        %add3A_136 = arith.constant 6 : i32
        %add3A_137 = vector.broadcast %add3A_136 : i32 to vector<16xi32>
        %add3A_138 = arith.addi %mul3A_135, %add3A_137 : vector<16xi32>
        tpu.vector_store_idx %arg7[%add3A_69, %add3A_138], %gather3A_132 : memref<1024x16xi32, #tpu.memory_space<vmem>>[vector<16xi32>, vector<16xi32>], vector<16xi32>,
        %add3A_139 = arith.constant 7 : i32
        %add3A_140 = vector.broadcast %add3A_139 : i32 to vector<16xi32>
        %add3A_141 = arith.addi %mul3A_65, %add3A_140 : vector<16xi32>
        %gather3A_142 = tpu.vector_load_idx %arg5[%add3A_141] : memref<1536xi32, #tpu.memory_space<vmem>>[vector<16xi32>], vector<16xi32>,
        %mul3A_143 = arith.constant 0 : i32
        %mul3A_144 = vector.broadcast %mul3A_143 : i32 to vector<16xi32>
        %mul3A_145 = arith.muli %iota3A, %mul3A_144 : vector<16xi32>
        %add3A_146 = arith.constant 7 : i32
        %add3A_147 = vector.broadcast %add3A_146 : i32 to vector<16xi32>
        %add3A_148 = arith.addi %mul3A_145, %add3A_147 : vector<16xi32>
        tpu.vector_store_idx %arg7[%add3A_69, %add3A_148], %gather3A_142 : memref<1024x16xi32, #tpu.memory_space<vmem>>[vector<16xi32>, vector<16xi32>], vector<16xi32>,
        %add3A_149 = arith.constant 8 : i32
        %add3A_150 = vector.broadcast %add3A_149 : i32 to vector<16xi32>
        %add3A_151 = arith.addi %mul3A_65, %add3A_150 : vector<16xi32>
        %gather3A_152 = tpu.vector_load_idx %arg5[%add3A_151] : memref<1536xi32, #tpu.memory_space<vmem>>[vector<16xi32>], vector<16xi32>,
        %mul3A_153 = arith.constant 0 : i32
        %mul3A_154 = vector.broadcast %mul3A_153 : i32 to vector<16xi32>
        %mul3A_155 = arith.muli %iota3A, %mul3A_154 : vector<16xi32>
        %add3A_156 = arith.constant 8 : i32
        %add3A_157 = vector.broadcast %add3A_156 : i32 to vector<16xi32>
        %add3A_158 = arith.addi %mul3A_155, %add3A_157 : vector<16xi32>
        tpu.vector_store_idx %arg7[%add3A_69, %add3A_158], %gather3A_152 : memref<1024x16xi32, #tpu.memory_space<vmem>>[vector<16xi32>, vector<16xi32>], vector<16xi32>,
        %add3A_159 = arith.constant 9 : i32
        %add3A_160 = vector.broadcast %add3A_159 : i32 to vector<16xi32>
        %add3A_161 = arith.addi %mul3A_65, %add3A_160 : vector<16xi32>
        %gather3A_162 = tpu.vector_load_idx %arg5[%add3A_161] : memref<1536xi32, #tpu.memory_space<vmem>>[vector<16xi32>], vector<16xi32>,
        %mul3A_163 = arith.constant 0 : i32
        %mul3A_164 = vector.broadcast %mul3A_163 : i32 to vector<16xi32>
        %mul3A_165 = arith.muli %iota3A, %mul3A_164 : vector<16xi32>
        %add3A_166 = arith.constant 9 : i32
        %add3A_167 = vector.broadcast %add3A_166 : i32 to vector<16xi32>
        %add3A_168 = arith.addi %mul3A_165, %add3A_167 : vector<16xi32>
        tpu.vector_store_idx %arg7[%add3A_69, %add3A_168], %gather3A_162 : memref<1024x16xi32, #tpu.memory_space<vmem>>[vector<16xi32>, vector<16xi32>], vector<16xi32>,
        %add3A_169 = arith.constant 10 : i32
        %add3A_170 = vector.broadcast %add3A_169 : i32 to vector<16xi32>
        %add3A_171 = arith.addi %mul3A_65, %add3A_170 : vector<16xi32>
        %gather3A_172 = tpu.vector_load_idx %arg5[%add3A_171] : memref<1536xi32, #tpu.memory_space<vmem>>[vector<16xi32>], vector<16xi32>,
        %mul3A_173 = arith.constant 0 : i32
        %mul3A_174 = vector.broadcast %mul3A_173 : i32 to vector<16xi32>
        %mul3A_175 = arith.muli %iota3A, %mul3A_174 : vector<16xi32>
        %add3A_176 = arith.constant 10 : i32
        %add3A_177 = vector.broadcast %add3A_176 : i32 to vector<16xi32>
        %add3A_178 = arith.addi %mul3A_175, %add3A_177 : vector<16xi32>
        tpu.vector_store_idx %arg7[%add3A_69, %add3A_178], %gather3A_172 : memref<1024x16xi32, #tpu.memory_space<vmem>>[vector<16xi32>, vector<16xi32>], vector<16xi32>,
        %add3A_179 = arith.constant 11 : i32
        %add3A_180 = vector.broadcast %add3A_179 : i32 to vector<16xi32>
        %add3A_181 = arith.addi %mul3A_65, %add3A_180 : vector<16xi32>
        %gather3A_182 = tpu.vector_load_idx %arg5[%add3A_181] : memref<1536xi32, #tpu.memory_space<vmem>>[vector<16xi32>], vector<16xi32>,
        %mul3A_183 = arith.constant 0 : i32
        %mul3A_184 = vector.broadcast %mul3A_183 : i32 to vector<16xi32>
        %mul3A_185 = arith.muli %iota3A, %mul3A_184 : vector<16xi32>
        %add3A_186 = arith.constant 11 : i32
        %add3A_187 = vector.broadcast %add3A_186 : i32 to vector<16xi32>
        %add3A_188 = arith.addi %mul3A_185, %add3A_187 : vector<16xi32>
        tpu.vector_store_idx %arg7[%add3A_69, %add3A_188], %gather3A_182 : memref<1024x16xi32, #tpu.memory_space<vmem>>[vector<16xi32>, vector<16xi32>], vector<16xi32>,
        %add3A_189 = arith.constant 12 : i32
        %add3A_190 = vector.broadcast %add3A_189 : i32 to vector<16xi32>
        %add3A_191 = arith.addi %mul3A_65, %add3A_190 : vector<16xi32>
        %gather3A_192 = tpu.vector_load_idx %arg5[%add3A_191] : memref<1536xi32, #tpu.memory_space<vmem>>[vector<16xi32>], vector<16xi32>,
        %mul3A_193 = arith.constant 0 : i32
        %mul3A_194 = vector.broadcast %mul3A_193 : i32 to vector<16xi32>
        %mul3A_195 = arith.muli %iota3A, %mul3A_194 : vector<16xi32>
        %add3A_196 = arith.constant 12 : i32
        %add3A_197 = vector.broadcast %add3A_196 : i32 to vector<16xi32>
        %add3A_198 = arith.addi %mul3A_195, %add3A_197 : vector<16xi32>
        tpu.vector_store_idx %arg7[%add3A_69, %add3A_198], %gather3A_192 : memref<1024x16xi32, #tpu.memory_space<vmem>>[vector<16xi32>, vector<16xi32>], vector<16xi32>,
        %add3A_199 = arith.constant 13 : i32
        %add3A_200 = vector.broadcast %add3A_199 : i32 to vector<16xi32>
        %add3A_201 = arith.addi %mul3A_65, %add3A_200 : vector<16xi32>
        %gather3A_202 = tpu.vector_load_idx %arg5[%add3A_201] : memref<1536xi32, #tpu.memory_space<vmem>>[vector<16xi32>], vector<16xi32>,
        %mul3A_203 = arith.constant 0 : i32
        %mul3A_204 = vector.broadcast %mul3A_203 : i32 to vector<16xi32>
        %mul3A_205 = arith.muli %iota3A, %mul3A_204 : vector<16xi32>
        %add3A_206 = arith.constant 13 : i32
        %add3A_207 = vector.broadcast %add3A_206 : i32 to vector<16xi32>
        %add3A_208 = arith.addi %mul3A_205, %add3A_207 : vector<16xi32>
        tpu.vector_store_idx %arg7[%add3A_69, %add3A_208], %gather3A_202 : memref<1024x16xi32, #tpu.memory_space<vmem>>[vector<16xi32>, vector<16xi32>], vector<16xi32>,
        %add3A_209 = arith.constant 14 : i32
        %add3A_210 = vector.broadcast %add3A_209 : i32 to vector<16xi32>
        %add3A_211 = arith.addi %mul3A_65, %add3A_210 : vector<16xi32>
        %gather3A_212 = tpu.vector_load_idx %arg5[%add3A_211] : memref<1536xi32, #tpu.memory_space<vmem>>[vector<16xi32>], vector<16xi32>,
        %mul3A_213 = arith.constant 0 : i32
        %mul3A_214 = vector.broadcast %mul3A_213 : i32 to vector<16xi32>
        %mul3A_215 = arith.muli %iota3A, %mul3A_214 : vector<16xi32>
        %add3A_216 = arith.constant 14 : i32
        %add3A_217 = vector.broadcast %add3A_216 : i32 to vector<16xi32>
        %add3A_218 = arith.addi %mul3A_215, %add3A_217 : vector<16xi32>
        tpu.vector_store_idx %arg7[%add3A_69, %add3A_218], %gather3A_212 : memref<1024x16xi32, #tpu.memory_space<vmem>>[vector<16xi32>, vector<16xi32>], vector<16xi32>,
        %add3A_219 = arith.constant 15 : i32
        %add3A_220 = vector.broadcast %add3A_219 : i32 to vector<16xi32>
        %add3A_221 = arith.addi %mul3A_65, %add3A_220 : vector<16xi32>
        %gather3A_222 = tpu.vector_load_idx %arg5[%add3A_221] : memref<1536xi32, #tpu.memory_space<vmem>>[vector<16xi32>], vector<16xi32>,
        %mul3A_223 = arith.constant 0 : i32
        %mul3A_224 = vector.broadcast %mul3A_223 : i32 to vector<16xi32>
        %mul3A_225 = arith.muli %iota3A, %mul3A_224 : vector<16xi32>
        %add3A_226 = arith.constant 15 : i32
        %add3A_227 = vector.broadcast %add3A_226 : i32 to vector<16xi32>
        %add3A_228 = arith.addi %mul3A_225, %add3A_227 : vector<16xi32>
        tpu.vector_store_idx %arg7[%add3A_69, %add3A_228], %gather3A_222 : memref<1024x16xi32, #tpu.memory_space<vmem>>[vector<16xi32>, vector<16xi32>], vector<16xi32>,
      }
      %scan3A_27 = arith.constant 64 : i32
      %mul3A_28 = arith.constant 1024 : i32
      %mul3A_29 = arith.muli %add3A_19, %mul3A_28 : i32
      %add3A_30 = arith.addi %mul3A_2, %mul3A_29 : i32
      %dma_start3A = arith.constant 0 : i32
      %dma_start3A_31 = tpu.memref_slice %arg4[%add3A_30, %dma_start3A] : memref<393216x16xi32, #tpu.memory_space<hbm>> -> memref<1024x16xi32, #tpu.memory_space<hbm>>
      %dma_start3A_32 = arith.constant 0 : i32
      %dma_start3A_33 = tpu.memref_slice %arg4[%add3A_30, %dma_start3A_32] : memref<393216x16xi32, #tpu.memory_space<hbm>> -> memref<1024x16xi32, #tpu.memory_space<hbm>>
      tpu.enqueue_dma source(%arg7 : memref<1024x16xi32, #tpu.memory_space<vmem>>) target(%dma_start3A_33 : memref<1024x16xi32, #tpu.memory_space<hbm>>) target_semaphore(%arg9 : memref<!tpu.dma_semaphore, #tpu.memory_space<semaphore_mem>>)
      %mul3A_34 = arith.constant 2 : i32
      %mul3A_35 = arith.muli %mul3A_34, %scan3A_15 : i32
      %add3A_36 = arith.constant 1 : i32
      %add3A_37 = arith.addi %mul3A_35, %add3A_36 : i32
      %ge3A_38 = arith.constant 2 : i32
      %ge3A_39 = arith.cmpi sge, %add3A_37, %ge3A_38 : i32
      %convert_element_type3A_40 = arith.extui %ge3A_39 : i1 to i32
      %cond3A_41 = arith.constant 0 : i32
      %cond3A_42 = arith.cmpi ne, %convert_element_type3A_40, %cond3A_41 : i32
      scf.if %cond3A_42 {
        %dma_wait3A_56 = arith.constant 0 : i32
        %dma_wait3A_57 = tpu.memref_slice %arg4[%mul3A_2, %dma_wait3A_56] : memref<393216x16xi32, #tpu.memory_space<hbm>> -> memref<1024x16xi32, #tpu.memory_space<hbm>>
        %dma_wait3A_58 = arith.constant 0 : i32
        %dma_wait3A_59 = tpu.memref_slice %arg4[%mul3A_2, %dma_wait3A_58] : memref<393216x16xi32, #tpu.memory_space<hbm>> -> memref<1024x16xi32, #tpu.memory_space<hbm>>
        tpu.wait_dma2 semaphore(%arg10 : memref<!tpu.dma_semaphore, #tpu.memory_space<semaphore_mem>>) src(%dma_wait3A_59 : memref<1024x16xi32, #tpu.memory_space<hbm>>) dst(%arg8 : memref<1024x16xi32, #tpu.memory_space<vmem>>)
      } else {
      }
      %scan3A_43 = arith.constant 0 : i32
      %scan3A_44 = arith.constant 0 : i32
      %scan3A_45 = arith.constant 64 : i32
      %scan3A_46 = arith.addi %scan3A_44, %scan3A_45 : i32
      %scan3A_47 = arith.constant 1 : i32
      scf.for %scan3A_56 = %scan3A_44 to %scan3A_46 step %scan3A_47  : i32 {
        %mul3A_57 = arith.constant 1024 : i32
        %mul3A_58 = arith.muli %add3A_37, %mul3A_57 : i32
        %mul3A_59 = arith.constant 16 : i32
        %mul3A_60 = arith.muli %scan3A_56, %mul3A_59 : i32
        %add3A_61 = arith.addi %mul3A_58, %mul3A_60 : i32
        %get3A = arith.index_cast %add3A_61 : i32 to index
        %get3A_62 = tpu.vector_load %arg6[%get3A] {strides = array<i32>} : memref<12288xi32, #tpu.memory_space<vmem>>, vector<16xi32>,
        %mul3A_63 = arith.constant 16 : i32
        %mul3A_64 = vector.broadcast %mul3A_63 : i32 to vector<16xi32>
        %mul3A_65 = arith.muli %get3A_62, %mul3A_64 : vector<16xi32>
        %mul3A_66 = arith.constant 16 : i32
        %mul3A_67 = arith.muli %scan3A_56, %mul3A_66 : i32
        %add3A_68 = vector.broadcast %mul3A_67 : i32 to vector<16xi32>
        %add3A_69 = arith.addi %add3A_68, %iota3A : vector<16xi32>
        %add3A_70 = arith.constant 0 : i32
        %add3A_71 = vector.broadcast %add3A_70 : i32 to vector<16xi32>
        %add3A_72 = arith.addi %mul3A_65, %add3A_71 : vector<16xi32>
        %gather3A = tpu.vector_load_idx %arg5[%add3A_72] : memref<1536xi32, #tpu.memory_space<vmem>>[vector<16xi32>], vector<16xi32>,
        %mul3A_73 = arith.constant 0 : i32
        %mul3A_74 = vector.broadcast %mul3A_73 : i32 to vector<16xi32>
        %mul3A_75 = arith.muli %iota3A, %mul3A_74 : vector<16xi32>
        %add3A_76 = arith.constant 0 : i32
        %add3A_77 = vector.broadcast %add3A_76 : i32 to vector<16xi32>
        %add3A_78 = arith.addi %mul3A_75, %add3A_77 : vector<16xi32>
        tpu.vector_store_idx %arg8[%add3A_69, %add3A_78], %gather3A : memref<1024x16xi32, #tpu.memory_space<vmem>>[vector<16xi32>, vector<16xi32>], vector<16xi32>,
        %add3A_79 = arith.constant 1 : i32
        %add3A_80 = vector.broadcast %add3A_79 : i32 to vector<16xi32>
        %add3A_81 = arith.addi %mul3A_65, %add3A_80 : vector<16xi32>
        %gather3A_82 = tpu.vector_load_idx %arg5[%add3A_81] : memref<1536xi32, #tpu.memory_space<vmem>>[vector<16xi32>], vector<16xi32>,
        %mul3A_83 = arith.constant 0 : i32
        %mul3A_84 = vector.broadcast %mul3A_83 : i32 to vector<16xi32>
        %mul3A_85 = arith.muli %iota3A, %mul3A_84 : vector<16xi32>
        %add3A_86 = arith.constant 1 : i32
        %add3A_87 = vector.broadcast %add3A_86 : i32 to vector<16xi32>
        %add3A_88 = arith.addi %mul3A_85, %add3A_87 : vector<16xi32>
        tpu.vector_store_idx %arg8[%add3A_69, %add3A_88], %gather3A_82 : memref<1024x16xi32, #tpu.memory_space<vmem>>[vector<16xi32>, vector<16xi32>], vector<16xi32>,
        %add3A_89 = arith.constant 2 : i32
        %add3A_90 = vector.broadcast %add3A_89 : i32 to vector<16xi32>
        %add3A_91 = arith.addi %mul3A_65, %add3A_90 : vector<16xi32>
        %gather3A_92 = tpu.vector_load_idx %arg5[%add3A_91] : memref<1536xi32, #tpu.memory_space<vmem>>[vector<16xi32>], vector<16xi32>,
        %mul3A_93 = arith.constant 0 : i32
        %mul3A_94 = vector.broadcast %mul3A_93 : i32 to vector<16xi32>
        %mul3A_95 = arith.muli %iota3A, %mul3A_94 : vector<16xi32>
        %add3A_96 = arith.constant 2 : i32
        %add3A_97 = vector.broadcast %add3A_96 : i32 to vector<16xi32>
        %add3A_98 = arith.addi %mul3A_95, %add3A_97 : vector<16xi32>
        tpu.vector_store_idx %arg8[%add3A_69, %add3A_98], %gather3A_92 : memref<1024x16xi32, #tpu.memory_space<vmem>>[vector<16xi32>, vector<16xi32>], vector<16xi32>,
        %add3A_99 = arith.constant 3 : i32
        %add3A_100 = vector.broadcast %add3A_99 : i32 to vector<16xi32>
        %add3A_101 = arith.addi %mul3A_65, %add3A_100 : vector<16xi32>
        %gather3A_102 = tpu.vector_load_idx %arg5[%add3A_101] : memref<1536xi32, #tpu.memory_space<vmem>>[vector<16xi32>], vector<16xi32>,
        %mul3A_103 = arith.constant 0 : i32
        %mul3A_104 = vector.broadcast %mul3A_103 : i32 to vector<16xi32>
        %mul3A_105 = arith.muli %iota3A, %mul3A_104 : vector<16xi32>
        %add3A_106 = arith.constant 3 : i32
        %add3A_107 = vector.broadcast %add3A_106 : i32 to vector<16xi32>
        %add3A_108 = arith.addi %mul3A_105, %add3A_107 : vector<16xi32>
        tpu.vector_store_idx %arg8[%add3A_69, %add3A_108], %gather3A_102 : memref<1024x16xi32, #tpu.memory_space<vmem>>[vector<16xi32>, vector<16xi32>], vector<16xi32>,
        %add3A_109 = arith.constant 4 : i32
        %add3A_110 = vector.broadcast %add3A_109 : i32 to vector<16xi32>
        %add3A_111 = arith.addi %mul3A_65, %add3A_110 : vector<16xi32>
        %gather3A_112 = tpu.vector_load_idx %arg5[%add3A_111] : memref<1536xi32, #tpu.memory_space<vmem>>[vector<16xi32>], vector<16xi32>,
        %mul3A_113 = arith.constant 0 : i32
        %mul3A_114 = vector.broadcast %mul3A_113 : i32 to vector<16xi32>
        %mul3A_115 = arith.muli %iota3A, %mul3A_114 : vector<16xi32>
        %add3A_116 = arith.constant 4 : i32
        %add3A_117 = vector.broadcast %add3A_116 : i32 to vector<16xi32>
        %add3A_118 = arith.addi %mul3A_115, %add3A_117 : vector<16xi32>
        tpu.vector_store_idx %arg8[%add3A_69, %add3A_118], %gather3A_112 : memref<1024x16xi32, #tpu.memory_space<vmem>>[vector<16xi32>, vector<16xi32>], vector<16xi32>,
        %add3A_119 = arith.constant 5 : i32
        %add3A_120 = vector.broadcast %add3A_119 : i32 to vector<16xi32>
        %add3A_121 = arith.addi %mul3A_65, %add3A_120 : vector<16xi32>
        %gather3A_122 = tpu.vector_load_idx %arg5[%add3A_121] : memref<1536xi32, #tpu.memory_space<vmem>>[vector<16xi32>], vector<16xi32>,
        %mul3A_123 = arith.constant 0 : i32
        %mul3A_124 = vector.broadcast %mul3A_123 : i32 to vector<16xi32>
        %mul3A_125 = arith.muli %iota3A, %mul3A_124 : vector<16xi32>
        %add3A_126 = arith.constant 5 : i32
        %add3A_127 = vector.broadcast %add3A_126 : i32 to vector<16xi32>
        %add3A_128 = arith.addi %mul3A_125, %add3A_127 : vector<16xi32>
        tpu.vector_store_idx %arg8[%add3A_69, %add3A_128], %gather3A_122 : memref<1024x16xi32, #tpu.memory_space<vmem>>[vector<16xi32>, vector<16xi32>], vector<16xi32>,
        %add3A_129 = arith.constant 6 : i32
        %add3A_130 = vector.broadcast %add3A_129 : i32 to vector<16xi32>
        %add3A_131 = arith.addi %mul3A_65, %add3A_130 : vector<16xi32>
        %gather3A_132 = tpu.vector_load_idx %arg5[%add3A_131] : memref<1536xi32, #tpu.memory_space<vmem>>[vector<16xi32>], vector<16xi32>,
        %mul3A_133 = arith.constant 0 : i32
        %mul3A_134 = vector.broadcast %mul3A_133 : i32 to vector<16xi32>
        %mul3A_135 = arith.muli %iota3A, %mul3A_134 : vector<16xi32>
        %add3A_136 = arith.constant 6 : i32
        %add3A_137 = vector.broadcast %add3A_136 : i32 to vector<16xi32>
        %add3A_138 = arith.addi %mul3A_135, %add3A_137 : vector<16xi32>
        tpu.vector_store_idx %arg8[%add3A_69, %add3A_138], %gather3A_132 : memref<1024x16xi32, #tpu.memory_space<vmem>>[vector<16xi32>, vector<16xi32>], vector<16xi32>,
        %add3A_139 = arith.constant 7 : i32
        %add3A_140 = vector.broadcast %add3A_139 : i32 to vector<16xi32>
        %add3A_141 = arith.addi %mul3A_65, %add3A_140 : vector<16xi32>
        %gather3A_142 = tpu.vector_load_idx %arg5[%add3A_141] : memref<1536xi32, #tpu.memory_space<vmem>>[vector<16xi32>], vector<16xi32>,
        %mul3A_143 = arith.constant 0 : i32
        %mul3A_144 = vector.broadcast %mul3A_143 : i32 to vector<16xi32>
        %mul3A_145 = arith.muli %iota3A, %mul3A_144 : vector<16xi32>
        %add3A_146 = arith.constant 7 : i32
        %add3A_147 = vector.broadcast %add3A_146 : i32 to vector<16xi32>
        %add3A_148 = arith.addi %mul3A_145, %add3A_147 : vector<16xi32>
        tpu.vector_store_idx %arg8[%add3A_69, %add3A_148], %gather3A_142 : memref<1024x16xi32, #tpu.memory_space<vmem>>[vector<16xi32>, vector<16xi32>], vector<16xi32>,
        %add3A_149 = arith.constant 8 : i32
        %add3A_150 = vector.broadcast %add3A_149 : i32 to vector<16xi32>
        %add3A_151 = arith.addi %mul3A_65, %add3A_150 : vector<16xi32>
        %gather3A_152 = tpu.vector_load_idx %arg5[%add3A_151] : memref<1536xi32, #tpu.memory_space<vmem>>[vector<16xi32>], vector<16xi32>,
        %mul3A_153 = arith.constant 0 : i32
        %mul3A_154 = vector.broadcast %mul3A_153 : i32 to vector<16xi32>
        %mul3A_155 = arith.muli %iota3A, %mul3A_154 : vector<16xi32>
        %add3A_156 = arith.constant 8 : i32
        %add3A_157 = vector.broadcast %add3A_156 : i32 to vector<16xi32>
        %add3A_158 = arith.addi %mul3A_155, %add3A_157 : vector<16xi32>
        tpu.vector_store_idx %arg8[%add3A_69, %add3A_158], %gather3A_152 : memref<1024x16xi32, #tpu.memory_space<vmem>>[vector<16xi32>, vector<16xi32>], vector<16xi32>,
        %add3A_159 = arith.constant 9 : i32
        %add3A_160 = vector.broadcast %add3A_159 : i32 to vector<16xi32>
        %add3A_161 = arith.addi %mul3A_65, %add3A_160 : vector<16xi32>
        %gather3A_162 = tpu.vector_load_idx %arg5[%add3A_161] : memref<1536xi32, #tpu.memory_space<vmem>>[vector<16xi32>], vector<16xi32>,
        %mul3A_163 = arith.constant 0 : i32
        %mul3A_164 = vector.broadcast %mul3A_163 : i32 to vector<16xi32>
        %mul3A_165 = arith.muli %iota3A, %mul3A_164 : vector<16xi32>
        %add3A_166 = arith.constant 9 : i32
        %add3A_167 = vector.broadcast %add3A_166 : i32 to vector<16xi32>
        %add3A_168 = arith.addi %mul3A_165, %add3A_167 : vector<16xi32>
        tpu.vector_store_idx %arg8[%add3A_69, %add3A_168], %gather3A_162 : memref<1024x16xi32, #tpu.memory_space<vmem>>[vector<16xi32>, vector<16xi32>], vector<16xi32>,
        %add3A_169 = arith.constant 10 : i32
        %add3A_170 = vector.broadcast %add3A_169 : i32 to vector<16xi32>
        %add3A_171 = arith.addi %mul3A_65, %add3A_170 : vector<16xi32>
        %gather3A_172 = tpu.vector_load_idx %arg5[%add3A_171] : memref<1536xi32, #tpu.memory_space<vmem>>[vector<16xi32>], vector<16xi32>,
        %mul3A_173 = arith.constant 0 : i32
        %mul3A_174 = vector.broadcast %mul3A_173 : i32 to vector<16xi32>
        %mul3A_175 = arith.muli %iota3A, %mul3A_174 : vector<16xi32>
        %add3A_176 = arith.constant 10 : i32
        %add3A_177 = vector.broadcast %add3A_176 : i32 to vector<16xi32>
        %add3A_178 = arith.addi %mul3A_175, %add3A_177 : vector<16xi32>
        tpu.vector_store_idx %arg8[%add3A_69, %add3A_178], %gather3A_172 : memref<1024x16xi32, #tpu.memory_space<vmem>>[vector<16xi32>, vector<16xi32>], vector<16xi32>,
        %add3A_179 = arith.constant 11 : i32
        %add3A_180 = vector.broadcast %add3A_179 : i32 to vector<16xi32>
        %add3A_181 = arith.addi %mul3A_65, %add3A_180 : vector<16xi32>
        %gather3A_182 = tpu.vector_load_idx %arg5[%add3A_181] : memref<1536xi32, #tpu.memory_space<vmem>>[vector<16xi32>], vector<16xi32>,
        %mul3A_183 = arith.constant 0 : i32
        %mul3A_184 = vector.broadcast %mul3A_183 : i32 to vector<16xi32>
        %mul3A_185 = arith.muli %iota3A, %mul3A_184 : vector<16xi32>
        %add3A_186 = arith.constant 11 : i32
        %add3A_187 = vector.broadcast %add3A_186 : i32 to vector<16xi32>
        %add3A_188 = arith.addi %mul3A_185, %add3A_187 : vector<16xi32>
        tpu.vector_store_idx %arg8[%add3A_69, %add3A_188], %gather3A_182 : memref<1024x16xi32, #tpu.memory_space<vmem>>[vector<16xi32>, vector<16xi32>], vector<16xi32>,
        %add3A_189 = arith.constant 12 : i32
        %add3A_190 = vector.broadcast %add3A_189 : i32 to vector<16xi32>
        %add3A_191 = arith.addi %mul3A_65, %add3A_190 : vector<16xi32>
        %gather3A_192 = tpu.vector_load_idx %arg5[%add3A_191] : memref<1536xi32, #tpu.memory_space<vmem>>[vector<16xi32>], vector<16xi32>,
        %mul3A_193 = arith.constant 0 : i32
        %mul3A_194 = vector.broadcast %mul3A_193 : i32 to vector<16xi32>
        %mul3A_195 = arith.muli %iota3A, %mul3A_194 : vector<16xi32>
        %add3A_196 = arith.constant 12 : i32
        %add3A_197 = vector.broadcast %add3A_196 : i32 to vector<16xi32>
        %add3A_198 = arith.addi %mul3A_195, %add3A_197 : vector<16xi32>
        tpu.vector_store_idx %arg8[%add3A_69, %add3A_198], %gather3A_192 : memref<1024x16xi32, #tpu.memory_space<vmem>>[vector<16xi32>, vector<16xi32>], vector<16xi32>,
        %add3A_199 = arith.constant 13 : i32
        %add3A_200 = vector.broadcast %add3A_199 : i32 to vector<16xi32>
        %add3A_201 = arith.addi %mul3A_65, %add3A_200 : vector<16xi32>
        %gather3A_202 = tpu.vector_load_idx %arg5[%add3A_201] : memref<1536xi32, #tpu.memory_space<vmem>>[vector<16xi32>], vector<16xi32>,
        %mul3A_203 = arith.constant 0 : i32
        %mul3A_204 = vector.broadcast %mul3A_203 : i32 to vector<16xi32>
        %mul3A_205 = arith.muli %iota3A, %mul3A_204 : vector<16xi32>
        %add3A_206 = arith.constant 13 : i32
        %add3A_207 = vector.broadcast %add3A_206 : i32 to vector<16xi32>
        %add3A_208 = arith.addi %mul3A_205, %add3A_207 : vector<16xi32>
        tpu.vector_store_idx %arg8[%add3A_69, %add3A_208], %gather3A_202 : memref<1024x16xi32, #tpu.memory_space<vmem>>[vector<16xi32>, vector<16xi32>], vector<16xi32>,
        %add3A_209 = arith.constant 14 : i32
        %add3A_210 = vector.broadcast %add3A_209 : i32 to vector<16xi32>
        %add3A_211 = arith.addi %mul3A_65, %add3A_210 : vector<16xi32>
        %gather3A_212 = tpu.vector_load_idx %arg5[%add3A_211] : memref<1536xi32, #tpu.memory_space<vmem>>[vector<16xi32>], vector<16xi32>,
        %mul3A_213 = arith.constant 0 : i32
        %mul3A_214 = vector.broadcast %mul3A_213 : i32 to vector<16xi32>
        %mul3A_215 = arith.muli %iota3A, %mul3A_214 : vector<16xi32>
        %add3A_216 = arith.constant 14 : i32
        %add3A_217 = vector.broadcast %add3A_216 : i32 to vector<16xi32>
        %add3A_218 = arith.addi %mul3A_215, %add3A_217 : vector<16xi32>
        tpu.vector_store_idx %arg8[%add3A_69, %add3A_218], %gather3A_212 : memref<1024x16xi32, #tpu.memory_space<vmem>>[vector<16xi32>, vector<16xi32>], vector<16xi32>,
        %add3A_219 = arith.constant 15 : i32
        %add3A_220 = vector.broadcast %add3A_219 : i32 to vector<16xi32>
        %add3A_221 = arith.addi %mul3A_65, %add3A_220 : vector<16xi32>
        %gather3A_222 = tpu.vector_load_idx %arg5[%add3A_221] : memref<1536xi32, #tpu.memory_space<vmem>>[vector<16xi32>], vector<16xi32>,
        %mul3A_223 = arith.constant 0 : i32
        %mul3A_224 = vector.broadcast %mul3A_223 : i32 to vector<16xi32>
        %mul3A_225 = arith.muli %iota3A, %mul3A_224 : vector<16xi32>
        %add3A_226 = arith.constant 15 : i32
        %add3A_227 = vector.broadcast %add3A_226 : i32 to vector<16xi32>
        %add3A_228 = arith.addi %mul3A_225, %add3A_227 : vector<16xi32>
        tpu.vector_store_idx %arg8[%add3A_69, %add3A_228], %gather3A_222 : memref<1024x16xi32, #tpu.memory_space<vmem>>[vector<16xi32>, vector<16xi32>], vector<16xi32>,
      }
      %scan3A_48 = arith.constant 64 : i32
      %mul3A_49 = arith.constant 1024 : i32
      %mul3A_50 = arith.muli %add3A_37, %mul3A_49 : i32
      %add3A_51 = arith.addi %mul3A_2, %mul3A_50 : i32
      %dma_start3A_52 = arith.constant 0 : i32
      %dma_start3A_53 = tpu.memref_slice %arg4[%add3A_51, %dma_start3A_52] : memref<393216x16xi32, #tpu.memory_space<hbm>> -> memref<1024x16xi32, #tpu.memory_space<hbm>>
      %dma_start3A_54 = arith.constant 0 : i32
      %dma_start3A_55 = tpu.memref_slice %arg4[%add3A_51, %dma_start3A_54] : memref<393216x16xi32, #tpu.memory_space<hbm>> -> memref<1024x16xi32, #tpu.memory_space<hbm>>
      tpu.enqueue_dma source(%arg8 : memref<1024x16xi32, #tpu.memory_space<vmem>>) target(%dma_start3A_55 : memref<1024x16xi32, #tpu.memory_space<hbm>>) target_semaphore(%arg10 : memref<!tpu.dma_semaphore, #tpu.memory_space<semaphore_mem>>)
    }
    %scan3A_7 = arith.constant 6 : i32
    %dma_wait3A = arith.constant 0 : i32
    %dma_wait3A_8 = tpu.memref_slice %arg4[%mul3A_2, %dma_wait3A] : memref<393216x16xi32, #tpu.memory_space<hbm>> -> memref<1024x16xi32, #tpu.memory_space<hbm>>
    %dma_wait3A_9 = arith.constant 0 : i32
    %dma_wait3A_10 = tpu.memref_slice %arg4[%mul3A_2, %dma_wait3A_9] : memref<393216x16xi32, #tpu.memory_space<hbm>> -> memref<1024x16xi32, #tpu.memory_space<hbm>>
    tpu.wait_dma2 semaphore(%arg9 : memref<!tpu.dma_semaphore, #tpu.memory_space<semaphore_mem>>) src(%dma_wait3A_10 : memref<1024x16xi32, #tpu.memory_space<hbm>>) dst(%arg7 : memref<1024x16xi32, #tpu.memory_space<vmem>>)
    %dma_wait3A_11 = arith.constant 0 : i32
    %dma_wait3A_12 = tpu.memref_slice %arg4[%mul3A_2, %dma_wait3A_11] : memref<393216x16xi32, #tpu.memory_space<hbm>> -> memref<1024x16xi32, #tpu.memory_space<hbm>>
    %dma_wait3A_13 = arith.constant 0 : i32
    %dma_wait3A_14 = tpu.memref_slice %arg4[%mul3A_2, %dma_wait3A_13] : memref<393216x16xi32, #tpu.memory_space<hbm>> -> memref<1024x16xi32, #tpu.memory_space<hbm>>
    tpu.wait_dma2 semaphore(%arg10 : memref<!tpu.dma_semaphore, #tpu.memory_space<semaphore_mem>>) src(%dma_wait3A_14 : memref<1024x16xi32, #tpu.memory_space<hbm>>) dst(%arg8 : memref<1024x16xi32, #tpu.memory_space<vmem>>)
    return
  }
}

#map = affine_map<(d0, d1) -> (0)>
#map1 = affine_map<(d0, d1) -> (0, 0)>
module attributes {stable_mosaic.version = 14 : i64} {
  func.func @run(%arg0: i32, %arg1: i32, %arg2: memref<1536xi32, #tpu.memory_space<hbm>>, %arg3: memref<32x12288xi32, #tpu.memory_space<hbm>>, %arg4: memref<393216x16xi32, #tpu.memory_space<hbm>>, %arg5: memref<1536xi32, #tpu.memory_space<vmem>>, %arg6: memref<12288xi32, #tpu.memory_space<vmem>>, %arg7: memref<1024x16xi32, #tpu.memory_space<vmem>>, %arg8: memref<1024x16xi32, #tpu.memory_space<vmem>>, %arg9: memref<!tpu.dma_semaphore, #tpu.memory_space<semaphore_mem>>, %arg10: memref<!tpu.dma_semaphore, #tpu.memory_space<semaphore_mem>>) attributes {dimension_semantics = [#tpu.dimension_semantics<core_parallel>, #tpu.dimension_semantics<subcore_parallel>], iteration_bounds = array<i64: 2, 16>, scalar_prefetch = 0 : i64, scratch_operands = 6 : i64, tpu.core_type = #tpu.core_type<sc_vector_subcore>, window_params = [{transform_indices = #map}, {transform_indices = #map1}, {transform_indices = #map1}]} {
    %mul3A = arith.constant 2 : i32
    %mul3A_0 = arith.muli %arg1, %mul3A : i32
    %add3A = arith.addi %mul3A_0, %arg0 : i32
    "tpu.region"() ({
      %run_scoped3A = tpu.sem_alloc : memref<!tpu.dma_semaphore, #tpu.memory_space<semaphore_mem>>
      tpu.enqueue_dma source(%arg2 : memref<1536xi32, #tpu.memory_space<hbm>>) target(%arg5 : memref<1536xi32, #tpu.memory_space<vmem>>) target_semaphore(%run_scoped3A : memref<!tpu.dma_semaphore, #tpu.memory_space<semaphore_mem>>)
      tpu.wait_dma2 semaphore(%run_scoped3A : memref<!tpu.dma_semaphore, #tpu.memory_space<semaphore_mem>>) src(%arg2 : memref<1536xi32, #tpu.memory_space<hbm>>) dst(%arg5 : memref<1536xi32, #tpu.memory_space<vmem>>)
      tpu.yield
    }) : () -> ()
    "tpu.region"() ({
      %run_scoped3A = tpu.sem_alloc : memref<!tpu.dma_semaphore, #tpu.memory_space<semaphore_mem>>
      %dma_start3A = arith.constant 0 : i32
      %dma_start3A_15 = tpu.memref_slice %arg3[%add3A, %dma_start3A] : memref<32x12288xi32, #tpu.memory_space<hbm>> -> memref<1x12288xi32, #tpu.memory_space<hbm>>
      %dma_start3A_16 = tpu.memref_squeeze %dma_start3A_15 : memref<1x12288xi32, #tpu.memory_space<hbm>> -> memref<12288xi32, #tpu.memory_space<hbm>>
      %dma_start3A_17 = arith.constant 0 : i32
      %dma_start3A_18 = tpu.memref_slice %arg3[%add3A, %dma_start3A_17] : memref<32x12288xi32, #tpu.memory_space<hbm>> -> memref<1x12288xi32, #tpu.memory_space<hbm>>
      %dma_start3A_19 = tpu.memref_squeeze %dma_start3A_18 : memref<1x12288xi32, #tpu.memory_space<hbm>> -> memref<12288xi32, #tpu.memory_space<hbm>>
      tpu.enqueue_dma source(%dma_start3A_19 : memref<12288xi32, #tpu.memory_space<hbm>>) target(%arg6 : memref<12288xi32, #tpu.memory_space<vmem>>) target_semaphore(%run_scoped3A : memref<!tpu.dma_semaphore, #tpu.memory_space<semaphore_mem>>)
      %dma_wait3A_20 = arith.constant 0 : i32
      %dma_wait3A_21 = tpu.memref_slice %arg3[%add3A, %dma_wait3A_20] : memref<32x12288xi32, #tpu.memory_space<hbm>> -> memref<1x12288xi32, #tpu.memory_space<hbm>>
      %dma_wait3A_22 = tpu.memref_squeeze %dma_wait3A_21 : memref<1x12288xi32, #tpu.memory_space<hbm>> -> memref<12288xi32, #tpu.memory_space<hbm>>
      %dma_wait3A_23 = arith.constant 0 : i32
      %dma_wait3A_24 = tpu.memref_slice %arg3[%add3A, %dma_wait3A_23] : memref<32x12288xi32, #tpu.memory_space<hbm>> -> memref<1x12288xi32, #tpu.memory_space<hbm>>
      %dma_wait3A_25 = tpu.memref_squeeze %dma_wait3A_24 : memref<1x12288xi32, #tpu.memory_space<hbm>> -> memref<12288xi32, #tpu.memory_space<hbm>>
      tpu.wait_dma2 semaphore(%run_scoped3A : memref<!tpu.dma_semaphore, #tpu.memory_space<semaphore_mem>>) src(%dma_wait3A_25 : memref<12288xi32, #tpu.memory_space<hbm>>) dst(%arg6 : memref<12288xi32, #tpu.memory_space<vmem>>)
      tpu.yield
    }) : () -> ()
    %mul3A_1 = arith.constant 12288 : i32
    %mul3A_2 = arith.muli %add3A, %mul3A_1 : i32
    %iota3A = tpu.iota {dimensions = array<i32: 0>} : vector<16xi32>
    %scan3A = arith.constant 0 : i32
    %scan3A_3 = arith.constant 0 : i32
    %scan3A_4 = arith.constant 6 : i32
    %scan3A_5 = arith.addi %scan3A_3, %scan3A_4 : i32
    %scan3A_6 = arith.constant 1 : i32
    scf.for %scan3A_15 = %scan3A_3 to %scan3A_5 step %scan3A_6  : i32 {
      %mul3A_16 = arith.constant 2 : i32
      %mul3A_17 = arith.muli %mul3A_16, %scan3A_15 : i32
      %add3A_18 = arith.constant 0 : i32
      %add3A_19 = arith.addi %mul3A_17, %add3A_18 : i32
      %ge3A = arith.constant 2 : i32
      %ge3A_20 = arith.cmpi sge, %add3A_19, %ge3A : i32
      %convert_element_type3A = arith.extui %ge3A_20 : i1 to i32
      %cond3A = arith.constant 0 : i32
      %cond3A_21 = arith.cmpi ne, %convert_element_type3A, %cond3A : i32
      scf.if %cond3A_21 {
        %dma_wait3A_56 = arith.constant 0 : i32
        %dma_wait3A_57 = tpu.memref_slice %arg4[%mul3A_2, %dma_wait3A_56] : memref<393216x16xi32, #tpu.memory_space<hbm>> -> memref<1024x16xi32, #tpu.memory_space<hbm>>
        %dma_wait3A_58 = arith.constant 0 : i32
        %dma_wait3A_59 = tpu.memref_slice %arg4[%mul3A_2, %dma_wait3A_58] : memref<393216x16xi32, #tpu.memory_space<hbm>> -> memref<1024x16xi32, #tpu.memory_space<hbm>>
        tpu.wait_dma2 semaphore(%arg9 : memref<!tpu.dma_semaphore, #tpu.memory_space<semaphore_mem>>) src(%dma_wait3A_59 : memref<1024x16xi32, #tpu.memory_space<hbm>>) dst(%arg7 : memref<1024x16xi32, #tpu.memory_space<vmem>>)
      } else {
      }
      %scan3A_22 = arith.constant 0 : i32
      %scan3A_23 = arith.constant 0 : i32
      %scan3A_24 = arith.constant 64 : i32
      %scan3A_25 = arith.addi %scan3A_23, %scan3A_24 : i32
      %scan3A_26 = arith.constant 1 : i32
      scf.for %scan3A_56 = %scan3A_23 to %scan3A_25 step %scan3A_26  : i32 {
        %mul3A_57 = arith.constant 1024 : i32
        %mul3A_58 = arith.muli %add3A_19, %mul3A_57 : i32
        %mul3A_59 = arith.constant 16 : i32
        %mul3A_60 = arith.muli %scan3A_56, %mul3A_59 : i32
        %add3A_61 = arith.addi %mul3A_58, %mul3A_60 : i32
        %get3A = arith.index_cast %add3A_61 : i32 to index
        %get3A_62 = tpu.vector_load %arg6[%get3A] {strides = array<i32>} : memref<12288xi32, #tpu.memory_space<vmem>>, vector<16xi32>,
        %mul3A_63 = arith.constant 16 : i32
        %mul3A_64 = vector.broadcast %mul3A_63 : i32 to vector<16xi32>
        %mul3A_65 = arith.muli %get3A_62, %mul3A_64 : vector<16xi32>
        %mul3A_66 = arith.constant 16 : i32
        %mul3A_67 = arith.muli %scan3A_56, %mul3A_66 : i32
        %add3A_68 = vector.broadcast %mul3A_67 : i32 to vector<16xi32>
        %add3A_69 = arith.addi %add3A_68, %iota3A : vector<16xi32>
        %add3A_70 = arith.constant 0 : i32
        %add3A_71 = vector.broadcast %add3A_70 : i32 to vector<16xi32>
        %add3A_72 = arith.addi %mul3A_65, %add3A_71 : vector<16xi32>
        %gather3A = tpu.vector_load_idx %arg5[%add3A_72] : memref<1536xi32, #tpu.memory_space<vmem>>[vector<16xi32>], vector<16xi32>,
        %mul3A_73 = arith.constant 0 : i32
        %mul3A_74 = vector.broadcast %mul3A_73 : i32 to vector<16xi32>
        %mul3A_75 = arith.muli %iota3A, %mul3A_74 : vector<16xi32>
        %add3A_76 = arith.constant 0 : i32
        %add3A_77 = vector.broadcast %add3A_76 : i32 to vector<16xi32>
        %add3A_78 = arith.addi %mul3A_75, %add3A_77 : vector<16xi32>
        tpu.vector_store_idx %arg7[%add3A_69, %add3A_78], %gather3A : memref<1024x16xi32, #tpu.memory_space<vmem>>[vector<16xi32>, vector<16xi32>], vector<16xi32>,
        %add3A_79 = arith.constant 1 : i32
        %add3A_80 = vector.broadcast %add3A_79 : i32 to vector<16xi32>
        %add3A_81 = arith.addi %mul3A_65, %add3A_80 : vector<16xi32>
        %gather3A_82 = tpu.vector_load_idx %arg5[%add3A_81] : memref<1536xi32, #tpu.memory_space<vmem>>[vector<16xi32>], vector<16xi32>,
        %mul3A_83 = arith.constant 0 : i32
        %mul3A_84 = vector.broadcast %mul3A_83 : i32 to vector<16xi32>
        %mul3A_85 = arith.muli %iota3A, %mul3A_84 : vector<16xi32>
        %add3A_86 = arith.constant 1 : i32
        %add3A_87 = vector.broadcast %add3A_86 : i32 to vector<16xi32>
        %add3A_88 = arith.addi %mul3A_85, %add3A_87 : vector<16xi32>
        tpu.vector_store_idx %arg7[%add3A_69, %add3A_88], %gather3A_82 : memref<1024x16xi32, #tpu.memory_space<vmem>>[vector<16xi32>, vector<16xi32>], vector<16xi32>,
        %add3A_89 = arith.constant 2 : i32
        %add3A_90 = vector.broadcast %add3A_89 : i32 to vector<16xi32>
        %add3A_91 = arith.addi %mul3A_65, %add3A_90 : vector<16xi32>
        %gather3A_92 = tpu.vector_load_idx %arg5[%add3A_91] : memref<1536xi32, #tpu.memory_space<vmem>>[vector<16xi32>], vector<16xi32>,
        %mul3A_93 = arith.constant 0 : i32
        %mul3A_94 = vector.broadcast %mul3A_93 : i32 to vector<16xi32>
        %mul3A_95 = arith.muli %iota3A, %mul3A_94 : vector<16xi32>
        %add3A_96 = arith.constant 2 : i32
        %add3A_97 = vector.broadcast %add3A_96 : i32 to vector<16xi32>
        %add3A_98 = arith.addi %mul3A_95, %add3A_97 : vector<16xi32>
        tpu.vector_store_idx %arg7[%add3A_69, %add3A_98], %gather3A_92 : memref<1024x16xi32, #tpu.memory_space<vmem>>[vector<16xi32>, vector<16xi32>], vector<16xi32>,
        %add3A_99 = arith.constant 3 : i32
        %add3A_100 = vector.broadcast %add3A_99 : i32 to vector<16xi32>
        %add3A_101 = arith.addi %mul3A_65, %add3A_100 : vector<16xi32>
        %gather3A_102 = tpu.vector_load_idx %arg5[%add3A_101] : memref<1536xi32, #tpu.memory_space<vmem>>[vector<16xi32>], vector<16xi32>,
        %mul3A_103 = arith.constant 0 : i32
        %mul3A_104 = vector.broadcast %mul3A_103 : i32 to vector<16xi32>
        %mul3A_105 = arith.muli %iota3A, %mul3A_104 : vector<16xi32>
        %add3A_106 = arith.constant 3 : i32
        %add3A_107 = vector.broadcast %add3A_106 : i32 to vector<16xi32>
        %add3A_108 = arith.addi %mul3A_105, %add3A_107 : vector<16xi32>
        tpu.vector_store_idx %arg7[%add3A_69, %add3A_108], %gather3A_102 : memref<1024x16xi32, #tpu.memory_space<vmem>>[vector<16xi32>, vector<16xi32>], vector<16xi32>,
        %add3A_109 = arith.constant 4 : i32
        %add3A_110 = vector.broadcast %add3A_109 : i32 to vector<16xi32>
        %add3A_111 = arith.addi %mul3A_65, %add3A_110 : vector<16xi32>
        %gather3A_112 = tpu.vector_load_idx %arg5[%add3A_111] : memref<1536xi32, #tpu.memory_space<vmem>>[vector<16xi32>], vector<16xi32>,
        %mul3A_113 = arith.constant 0 : i32
        %mul3A_114 = vector.broadcast %mul3A_113 : i32 to vector<16xi32>
        %mul3A_115 = arith.muli %iota3A, %mul3A_114 : vector<16xi32>
        %add3A_116 = arith.constant 4 : i32
        %add3A_117 = vector.broadcast %add3A_116 : i32 to vector<16xi32>
        %add3A_118 = arith.addi %mul3A_115, %add3A_117 : vector<16xi32>
        tpu.vector_store_idx %arg7[%add3A_69, %add3A_118], %gather3A_112 : memref<1024x16xi32, #tpu.memory_space<vmem>>[vector<16xi32>, vector<16xi32>], vector<16xi32>,
        %add3A_119 = arith.constant 5 : i32
        %add3A_120 = vector.broadcast %add3A_119 : i32 to vector<16xi32>
        %add3A_121 = arith.addi %mul3A_65, %add3A_120 : vector<16xi32>
        %gather3A_122 = tpu.vector_load_idx %arg5[%add3A_121] : memref<1536xi32, #tpu.memory_space<vmem>>[vector<16xi32>], vector<16xi32>,
        %mul3A_123 = arith.constant 0 : i32
        %mul3A_124 = vector.broadcast %mul3A_123 : i32 to vector<16xi32>
        %mul3A_125 = arith.muli %iota3A, %mul3A_124 : vector<16xi32>
        %add3A_126 = arith.constant 5 : i32
        %add3A_127 = vector.broadcast %add3A_126 : i32 to vector<16xi32>
        %add3A_128 = arith.addi %mul3A_125, %add3A_127 : vector<16xi32>
        tpu.vector_store_idx %arg7[%add3A_69, %add3A_128], %gather3A_122 : memref<1024x16xi32, #tpu.memory_space<vmem>>[vector<16xi32>, vector<16xi32>], vector<16xi32>,
        %add3A_129 = arith.constant 6 : i32
        %add3A_130 = vector.broadcast %add3A_129 : i32 to vector<16xi32>
        %add3A_131 = arith.addi %mul3A_65, %add3A_130 : vector<16xi32>
        %gather3A_132 = tpu.vector_load_idx %arg5[%add3A_131] : memref<1536xi32, #tpu.memory_space<vmem>>[vector<16xi32>], vector<16xi32>,
        %mul3A_133 = arith.constant 0 : i32
        %mul3A_134 = vector.broadcast %mul3A_133 : i32 to vector<16xi32>
        %mul3A_135 = arith.muli %iota3A, %mul3A_134 : vector<16xi32>
        %add3A_136 = arith.constant 6 : i32
        %add3A_137 = vector.broadcast %add3A_136 : i32 to vector<16xi32>
        %add3A_138 = arith.addi %mul3A_135, %add3A_137 : vector<16xi32>
        tpu.vector_store_idx %arg7[%add3A_69, %add3A_138], %gather3A_132 : memref<1024x16xi32, #tpu.memory_space<vmem>>[vector<16xi32>, vector<16xi32>], vector<16xi32>,
        %add3A_139 = arith.constant 7 : i32
        %add3A_140 = vector.broadcast %add3A_139 : i32 to vector<16xi32>
        %add3A_141 = arith.addi %mul3A_65, %add3A_140 : vector<16xi32>
        %gather3A_142 = tpu.vector_load_idx %arg5[%add3A_141] : memref<1536xi32, #tpu.memory_space<vmem>>[vector<16xi32>], vector<16xi32>,
        %mul3A_143 = arith.constant 0 : i32
        %mul3A_144 = vector.broadcast %mul3A_143 : i32 to vector<16xi32>
        %mul3A_145 = arith.muli %iota3A, %mul3A_144 : vector<16xi32>
        %add3A_146 = arith.constant 7 : i32
        %add3A_147 = vector.broadcast %add3A_146 : i32 to vector<16xi32>
        %add3A_148 = arith.addi %mul3A_145, %add3A_147 : vector<16xi32>
        tpu.vector_store_idx %arg7[%add3A_69, %add3A_148], %gather3A_142 : memref<1024x16xi32, #tpu.memory_space<vmem>>[vector<16xi32>, vector<16xi32>], vector<16xi32>,
        %add3A_149 = arith.constant 8 : i32
        %add3A_150 = vector.broadcast %add3A_149 : i32 to vector<16xi32>
        %add3A_151 = arith.addi %mul3A_65, %add3A_150 : vector<16xi32>
        %gather3A_152 = tpu.vector_load_idx %arg5[%add3A_151] : memref<1536xi32, #tpu.memory_space<vmem>>[vector<16xi32>], vector<16xi32>,
        %mul3A_153 = arith.constant 0 : i32
        %mul3A_154 = vector.broadcast %mul3A_153 : i32 to vector<16xi32>
        %mul3A_155 = arith.muli %iota3A, %mul3A_154 : vector<16xi32>
        %add3A_156 = arith.constant 8 : i32
        %add3A_157 = vector.broadcast %add3A_156 : i32 to vector<16xi32>
        %add3A_158 = arith.addi %mul3A_155, %add3A_157 : vector<16xi32>
        tpu.vector_store_idx %arg7[%add3A_69, %add3A_158], %gather3A_152 : memref<1024x16xi32, #tpu.memory_space<vmem>>[vector<16xi32>, vector<16xi32>], vector<16xi32>,
        %add3A_159 = arith.constant 9 : i32
        %add3A_160 = vector.broadcast %add3A_159 : i32 to vector<16xi32>
        %add3A_161 = arith.addi %mul3A_65, %add3A_160 : vector<16xi32>
        %gather3A_162 = tpu.vector_load_idx %arg5[%add3A_161] : memref<1536xi32, #tpu.memory_space<vmem>>[vector<16xi32>], vector<16xi32>,
        %mul3A_163 = arith.constant 0 : i32
        %mul3A_164 = vector.broadcast %mul3A_163 : i32 to vector<16xi32>
        %mul3A_165 = arith.muli %iota3A, %mul3A_164 : vector<16xi32>
        %add3A_166 = arith.constant 9 : i32
        %add3A_167 = vector.broadcast %add3A_166 : i32 to vector<16xi32>
        %add3A_168 = arith.addi %mul3A_165, %add3A_167 : vector<16xi32>
        tpu.vector_store_idx %arg7[%add3A_69, %add3A_168], %gather3A_162 : memref<1024x16xi32, #tpu.memory_space<vmem>>[vector<16xi32>, vector<16xi32>], vector<16xi32>,
        %add3A_169 = arith.constant 10 : i32
        %add3A_170 = vector.broadcast %add3A_169 : i32 to vector<16xi32>
        %add3A_171 = arith.addi %mul3A_65, %add3A_170 : vector<16xi32>
        %gather3A_172 = tpu.vector_load_idx %arg5[%add3A_171] : memref<1536xi32, #tpu.memory_space<vmem>>[vector<16xi32>], vector<16xi32>,
        %mul3A_173 = arith.constant 0 : i32
        %mul3A_174 = vector.broadcast %mul3A_173 : i32 to vector<16xi32>
        %mul3A_175 = arith.muli %iota3A, %mul3A_174 : vector<16xi32>
        %add3A_176 = arith.constant 10 : i32
        %add3A_177 = vector.broadcast %add3A_176 : i32 to vector<16xi32>
        %add3A_178 = arith.addi %mul3A_175, %add3A_177 : vector<16xi32>
        tpu.vector_store_idx %arg7[%add3A_69, %add3A_178], %gather3A_172 : memref<1024x16xi32, #tpu.memory_space<vmem>>[vector<16xi32>, vector<16xi32>], vector<16xi32>,
        %add3A_179 = arith.constant 11 : i32
        %add3A_180 = vector.broadcast %add3A_179 : i32 to vector<16xi32>
        %add3A_181 = arith.addi %mul3A_65, %add3A_180 : vector<16xi32>
        %gather3A_182 = tpu.vector_load_idx %arg5[%add3A_181] : memref<1536xi32, #tpu.memory_space<vmem>>[vector<16xi32>], vector<16xi32>,
        %mul3A_183 = arith.constant 0 : i32
        %mul3A_184 = vector.broadcast %mul3A_183 : i32 to vector<16xi32>
        %mul3A_185 = arith.muli %iota3A, %mul3A_184 : vector<16xi32>
        %add3A_186 = arith.constant 11 : i32
        %add3A_187 = vector.broadcast %add3A_186 : i32 to vector<16xi32>
        %add3A_188 = arith.addi %mul3A_185, %add3A_187 : vector<16xi32>
        tpu.vector_store_idx %arg7[%add3A_69, %add3A_188], %gather3A_182 : memref<1024x16xi32, #tpu.memory_space<vmem>>[vector<16xi32>, vector<16xi32>], vector<16xi32>,
        %add3A_189 = arith.constant 12 : i32
        %add3A_190 = vector.broadcast %add3A_189 : i32 to vector<16xi32>
        %add3A_191 = arith.addi %mul3A_65, %add3A_190 : vector<16xi32>
        %gather3A_192 = tpu.vector_load_idx %arg5[%add3A_191] : memref<1536xi32, #tpu.memory_space<vmem>>[vector<16xi32>], vector<16xi32>,
        %mul3A_193 = arith.constant 0 : i32
        %mul3A_194 = vector.broadcast %mul3A_193 : i32 to vector<16xi32>
        %mul3A_195 = arith.muli %iota3A, %mul3A_194 : vector<16xi32>
        %add3A_196 = arith.constant 12 : i32
        %add3A_197 = vector.broadcast %add3A_196 : i32 to vector<16xi32>
        %add3A_198 = arith.addi %mul3A_195, %add3A_197 : vector<16xi32>
        tpu.vector_store_idx %arg7[%add3A_69, %add3A_198], %gather3A_192 : memref<1024x16xi32, #tpu.memory_space<vmem>>[vector<16xi32>, vector<16xi32>], vector<16xi32>,
        %add3A_199 = arith.constant 13 : i32
        %add3A_200 = vector.broadcast %add3A_199 : i32 to vector<16xi32>
        %add3A_201 = arith.addi %mul3A_65, %add3A_200 : vector<16xi32>
        %gather3A_202 = tpu.vector_load_idx %arg5[%add3A_201] : memref<1536xi32, #tpu.memory_space<vmem>>[vector<16xi32>], vector<16xi32>,
        %mul3A_203 = arith.constant 0 : i32
        %mul3A_204 = vector.broadcast %mul3A_203 : i32 to vector<16xi32>
        %mul3A_205 = arith.muli %iota3A, %mul3A_204 : vector<16xi32>
        %add3A_206 = arith.constant 13 : i32
        %add3A_207 = vector.broadcast %add3A_206 : i32 to vector<16xi32>
        %add3A_208 = arith.addi %mul3A_205, %add3A_207 : vector<16xi32>
        tpu.vector_store_idx %arg7[%add3A_69, %add3A_208], %gather3A_202 : memref<1024x16xi32, #tpu.memory_space<vmem>>[vector<16xi32>, vector<16xi32>], vector<16xi32>,
        %add3A_209 = arith.constant 14 : i32
        %add3A_210 = vector.broadcast %add3A_209 : i32 to vector<16xi32>
        %add3A_211 = arith.addi %mul3A_65, %add3A_210 : vector<16xi32>
        %gather3A_212 = tpu.vector_load_idx %arg5[%add3A_211] : memref<1536xi32, #tpu.memory_space<vmem>>[vector<16xi32>], vector<16xi32>,
        %mul3A_213 = arith.constant 0 : i32
        %mul3A_214 = vector.broadcast %mul3A_213 : i32 to vector<16xi32>
        %mul3A_215 = arith.muli %iota3A, %mul3A_214 : vector<16xi32>
        %add3A_216 = arith.constant 14 : i32
        %add3A_217 = vector.broadcast %add3A_216 : i32 to vector<16xi32>
        %add3A_218 = arith.addi %mul3A_215, %add3A_217 : vector<16xi32>
        tpu.vector_store_idx %arg7[%add3A_69, %add3A_218], %gather3A_212 : memref<1024x16xi32, #tpu.memory_space<vmem>>[vector<16xi32>, vector<16xi32>], vector<16xi32>,
        %add3A_219 = arith.constant 15 : i32
        %add3A_220 = vector.broadcast %add3A_219 : i32 to vector<16xi32>
        %add3A_221 = arith.addi %mul3A_65, %add3A_220 : vector<16xi32>
        %gather3A_222 = tpu.vector_load_idx %arg5[%add3A_221] : memref<1536xi32, #tpu.memory_space<vmem>>[vector<16xi32>], vector<16xi32>,
        %mul3A_223 = arith.constant 0 : i32
        %mul3A_224 = vector.broadcast %mul3A_223 : i32 to vector<16xi32>
        %mul3A_225 = arith.muli %iota3A, %mul3A_224 : vector<16xi32>
        %add3A_226 = arith.constant 15 : i32
        %add3A_227 = vector.broadcast %add3A_226 : i32 to vector<16xi32>
        %add3A_228 = arith.addi %mul3A_225, %add3A_227 : vector<16xi32>
        tpu.vector_store_idx %arg7[%add3A_69, %add3A_228], %gather3A_222 : memref<1024x16xi32, #tpu.memory_space<vmem>>[vector<16xi32>, vector<16xi32>], vector<16xi32>,
      }
      %scan3A_27 = arith.constant 64 : i32
      %mul3A_28 = arith.constant 1024 : i32
      %mul3A_29 = arith.muli %add3A_19, %mul3A_28 : i32
      %add3A_30 = arith.addi %mul3A_2, %mul3A_29 : i32
      %dma_start3A = arith.constant 0 : i32
      %dma_start3A_31 = tpu.memref_slice %arg4[%add3A_30, %dma_start3A] : memref<393216x16xi32, #tpu.memory_space<hbm>> -> memref<1024x16xi32, #tpu.memory_space<hbm>>
      %dma_start3A_32 = arith.constant 0 : i32
      %dma_start3A_33 = tpu.memref_slice %arg4[%add3A_30, %dma_start3A_32] : memref<393216x16xi32, #tpu.memory_space<hbm>> -> memref<1024x16xi32, #tpu.memory_space<hbm>>
      tpu.enqueue_dma source(%arg7 : memref<1024x16xi32, #tpu.memory_space<vmem>>) target(%dma_start3A_33 : memref<1024x16xi32, #tpu.memory_space<hbm>>) target_semaphore(%arg9 : memref<!tpu.dma_semaphore, #tpu.memory_space<semaphore_mem>>)
      %mul3A_34 = arith.constant 2 : i32
      %mul3A_35 = arith.muli %mul3A_34, %scan3A_15 : i32
      %add3A_36 = arith.constant 1 : i32
      %add3A_37 = arith.addi %mul3A_35, %add3A_36 : i32
      %ge3A_38 = arith.constant 2 : i32
      %ge3A_39 = arith.cmpi sge, %add3A_37, %ge3A_38 : i32
      %convert_element_type3A_40 = arith.extui %ge3A_39 : i1 to i32
      %cond3A_41 = arith.constant 0 : i32
      %cond3A_42 = arith.cmpi ne, %convert_element_type3A_40, %cond3A_41 : i32
      scf.if %cond3A_42 {
        %dma_wait3A_56 = arith.constant 0 : i32
        %dma_wait3A_57 = tpu.memref_slice %arg4[%mul3A_2, %dma_wait3A_56] : memref<393216x16xi32, #tpu.memory_space<hbm>> -> memref<1024x16xi32, #tpu.memory_space<hbm>>
        %dma_wait3A_58 = arith.constant 0 : i32
        %dma_wait3A_59 = tpu.memref_slice %arg4[%mul3A_2, %dma_wait3A_58] : memref<393216x16xi32, #tpu.memory_space<hbm>> -> memref<1024x16xi32, #tpu.memory_space<hbm>>
        tpu.wait_dma2 semaphore(%arg10 : memref<!tpu.dma_semaphore, #tpu.memory_space<semaphore_mem>>) src(%dma_wait3A_59 : memref<1024x16xi32, #tpu.memory_space<hbm>>) dst(%arg8 : memref<1024x16xi32, #tpu.memory_space<vmem>>)
      } else {
      }
      %scan3A_43 = arith.constant 0 : i32
      %scan3A_44 = arith.constant 0 : i32
      %scan3A_45 = arith.constant 64 : i32
      %scan3A_46 = arith.addi %scan3A_44, %scan3A_45 : i32
      %scan3A_47 = arith.constant 1 : i32
      scf.for %scan3A_56 = %scan3A_44 to %scan3A_46 step %scan3A_47  : i32 {
        %mul3A_57 = arith.constant 1024 : i32
        %mul3A_58 = arith.muli %add3A_37, %mul3A_57 : i32
        %mul3A_59 = arith.constant 16 : i32
        %mul3A_60 = arith.muli %scan3A_56, %mul3A_59 : i32
        %add3A_61 = arith.addi %mul3A_58, %mul3A_60 : i32
        %get3A = arith.index_cast %add3A_61 : i32 to index
        %get3A_62 = tpu.vector_load %arg6[%get3A] {strides = array<i32>} : memref<12288xi32, #tpu.memory_space<vmem>>, vector<16xi32>,
        %mul3A_63 = arith.constant 16 : i32
        %mul3A_64 = vector.broadcast %mul3A_63 : i32 to vector<16xi32>
        %mul3A_65 = arith.muli %get3A_62, %mul3A_64 : vector<16xi32>
        %mul3A_66 = arith.constant 16 : i32
        %mul3A_67 = arith.muli %scan3A_56, %mul3A_66 : i32
        %add3A_68 = vector.broadcast %mul3A_67 : i32 to vector<16xi32>
        %add3A_69 = arith.addi %add3A_68, %iota3A : vector<16xi32>
        %add3A_70 = arith.constant 0 : i32
        %add3A_71 = vector.broadcast %add3A_70 : i32 to vector<16xi32>
        %add3A_72 = arith.addi %mul3A_65, %add3A_71 : vector<16xi32>
        %gather3A = tpu.vector_load_idx %arg5[%add3A_72] : memref<1536xi32, #tpu.memory_space<vmem>>[vector<16xi32>], vector<16xi32>,
        %mul3A_73 = arith.constant 0 : i32
        %mul3A_74 = vector.broadcast %mul3A_73 : i32 to vector<16xi32>
        %mul3A_75 = arith.muli %iota3A, %mul3A_74 : vector<16xi32>
        %add3A_76 = arith.constant 0 : i32
        %add3A_77 = vector.broadcast %add3A_76 : i32 to vector<16xi32>
        %add3A_78 = arith.addi %mul3A_75, %add3A_77 : vector<16xi32>
        tpu.vector_store_idx %arg8[%add3A_69, %add3A_78], %gather3A : memref<1024x16xi32, #tpu.memory_space<vmem>>[vector<16xi32>, vector<16xi32>], vector<16xi32>,
        %add3A_79 = arith.constant 1 : i32
        %add3A_80 = vector.broadcast %add3A_79 : i32 to vector<16xi32>
        %add3A_81 = arith.addi %mul3A_65, %add3A_80 : vector<16xi32>
        %gather3A_82 = tpu.vector_load_idx %arg5[%add3A_81] : memref<1536xi32, #tpu.memory_space<vmem>>[vector<16xi32>], vector<16xi32>,
        %mul3A_83 = arith.constant 0 : i32
        %mul3A_84 = vector.broadcast %mul3A_83 : i32 to vector<16xi32>
        %mul3A_85 = arith.muli %iota3A, %mul3A_84 : vector<16xi32>
        %add3A_86 = arith.constant 1 : i32
        %add3A_87 = vector.broadcast %add3A_86 : i32 to vector<16xi32>
        %add3A_88 = arith.addi %mul3A_85, %add3A_87 : vector<16xi32>
        tpu.vector_store_idx %arg8[%add3A_69, %add3A_88], %gather3A_82 : memref<1024x16xi32, #tpu.memory_space<vmem>>[vector<16xi32>, vector<16xi32>], vector<16xi32>,
        %add3A_89 = arith.constant 2 : i32
        %add3A_90 = vector.broadcast %add3A_89 : i32 to vector<16xi32>
        %add3A_91 = arith.addi %mul3A_65, %add3A_90 : vector<16xi32>
        %gather3A_92 = tpu.vector_load_idx %arg5[%add3A_91] : memref<1536xi32, #tpu.memory_space<vmem>>[vector<16xi32>], vector<16xi32>,
        %mul3A_93 = arith.constant 0 : i32
        %mul3A_94 = vector.broadcast %mul3A_93 : i32 to vector<16xi32>
        %mul3A_95 = arith.muli %iota3A, %mul3A_94 : vector<16xi32>
        %add3A_96 = arith.constant 2 : i32
        %add3A_97 = vector.broadcast %add3A_96 : i32 to vector<16xi32>
        %add3A_98 = arith.addi %mul3A_95, %add3A_97 : vector<16xi32>
        tpu.vector_store_idx %arg8[%add3A_69, %add3A_98], %gather3A_92 : memref<1024x16xi32, #tpu.memory_space<vmem>>[vector<16xi32>, vector<16xi32>], vector<16xi32>,
        %add3A_99 = arith.constant 3 : i32
        %add3A_100 = vector.broadcast %add3A_99 : i32 to vector<16xi32>
        %add3A_101 = arith.addi %mul3A_65, %add3A_100 : vector<16xi32>
        %gather3A_102 = tpu.vector_load_idx %arg5[%add3A_101] : memref<1536xi32, #tpu.memory_space<vmem>>[vector<16xi32>], vector<16xi32>,
        %mul3A_103 = arith.constant 0 : i32
        %mul3A_104 = vector.broadcast %mul3A_103 : i32 to vector<16xi32>
        %mul3A_105 = arith.muli %iota3A, %mul3A_104 : vector<16xi32>
        %add3A_106 = arith.constant 3 : i32
        %add3A_107 = vector.broadcast %add3A_106 : i32 to vector<16xi32>
        %add3A_108 = arith.addi %mul3A_105, %add3A_107 : vector<16xi32>
        tpu.vector_store_idx %arg8[%add3A_69, %add3A_108], %gather3A_102 : memref<1024x16xi32, #tpu.memory_space<vmem>>[vector<16xi32>, vector<16xi32>], vector<16xi32>,
        %add3A_109 = arith.constant 4 : i32
        %add3A_110 = vector.broadcast %add3A_109 : i32 to vector<16xi32>
        %add3A_111 = arith.addi %mul3A_65, %add3A_110 : vector<16xi32>
        %gather3A_112 = tpu.vector_load_idx %arg5[%add3A_111] : memref<1536xi32, #tpu.memory_space<vmem>>[vector<16xi32>], vector<16xi32>,
        %mul3A_113 = arith.constant 0 : i32
        %mul3A_114 = vector.broadcast %mul3A_113 : i32 to vector<16xi32>
        %mul3A_115 = arith.muli %iota3A, %mul3A_114 : vector<16xi32>
        %add3A_116 = arith.constant 4 : i32
        %add3A_117 = vector.broadcast %add3A_116 : i32 to vector<16xi32>
        %add3A_118 = arith.addi %mul3A_115, %add3A_117 : vector<16xi32>
        tpu.vector_store_idx %arg8[%add3A_69, %add3A_118], %gather3A_112 : memref<1024x16xi32, #tpu.memory_space<vmem>>[vector<16xi32>, vector<16xi32>], vector<16xi32>,
        %add3A_119 = arith.constant 5 : i32
        %add3A_120 = vector.broadcast %add3A_119 : i32 to vector<16xi32>
        %add3A_121 = arith.addi %mul3A_65, %add3A_120 : vector<16xi32>
        %gather3A_122 = tpu.vector_load_idx %arg5[%add3A_121] : memref<1536xi32, #tpu.memory_space<vmem>>[vector<16xi32>], vector<16xi32>,
        %mul3A_123 = arith.constant 0 : i32
        %mul3A_124 = vector.broadcast %mul3A_123 : i32 to vector<16xi32>
        %mul3A_125 = arith.muli %iota3A, %mul3A_124 : vector<16xi32>
        %add3A_126 = arith.constant 5 : i32
        %add3A_127 = vector.broadcast %add3A_126 : i32 to vector<16xi32>
        %add3A_128 = arith.addi %mul3A_125, %add3A_127 : vector<16xi32>
        tpu.vector_store_idx %arg8[%add3A_69, %add3A_128], %gather3A_122 : memref<1024x16xi32, #tpu.memory_space<vmem>>[vector<16xi32>, vector<16xi32>], vector<16xi32>,
        %add3A_129 = arith.constant 6 : i32
        %add3A_130 = vector.broadcast %add3A_129 : i32 to vector<16xi32>
        %add3A_131 = arith.addi %mul3A_65, %add3A_130 : vector<16xi32>
        %gather3A_132 = tpu.vector_load_idx %arg5[%add3A_131] : memref<1536xi32, #tpu.memory_space<vmem>>[vector<16xi32>], vector<16xi32>,
        %mul3A_133 = arith.constant 0 : i32
        %mul3A_134 = vector.broadcast %mul3A_133 : i32 to vector<16xi32>
        %mul3A_135 = arith.muli %iota3A, %mul3A_134 : vector<16xi32>
        %add3A_136 = arith.constant 6 : i32
        %add3A_137 = vector.broadcast %add3A_136 : i32 to vector<16xi32>
        %add3A_138 = arith.addi %mul3A_135, %add3A_137 : vector<16xi32>
        tpu.vector_store_idx %arg8[%add3A_69, %add3A_138], %gather3A_132 : memref<1024x16xi32, #tpu.memory_space<vmem>>[vector<16xi32>, vector<16xi32>], vector<16xi32>,
        %add3A_139 = arith.constant 7 : i32
        %add3A_140 = vector.broadcast %add3A_139 : i32 to vector<16xi32>
        %add3A_141 = arith.addi %mul3A_65, %add3A_140 : vector<16xi32>
        %gather3A_142 = tpu.vector_load_idx %arg5[%add3A_141] : memref<1536xi32, #tpu.memory_space<vmem>>[vector<16xi32>], vector<16xi32>,
        %mul3A_143 = arith.constant 0 : i32
        %mul3A_144 = vector.broadcast %mul3A_143 : i32 to vector<16xi32>
        %mul3A_145 = arith.muli %iota3A, %mul3A_144 : vector<16xi32>
        %add3A_146 = arith.constant 7 : i32
        %add3A_147 = vector.broadcast %add3A_146 : i32 to vector<16xi32>
        %add3A_148 = arith.addi %mul3A_145, %add3A_147 : vector<16xi32>
        tpu.vector_store_idx %arg8[%add3A_69, %add3A_148], %gather3A_142 : memref<1024x16xi32, #tpu.memory_space<vmem>>[vector<16xi32>, vector<16xi32>], vector<16xi32>,
        %add3A_149 = arith.constant 8 : i32
        %add3A_150 = vector.broadcast %add3A_149 : i32 to vector<16xi32>
        %add3A_151 = arith.addi %mul3A_65, %add3A_150 : vector<16xi32>
        %gather3A_152 = tpu.vector_load_idx %arg5[%add3A_151] : memref<1536xi32, #tpu.memory_space<vmem>>[vector<16xi32>], vector<16xi32>,
        %mul3A_153 = arith.constant 0 : i32
        %mul3A_154 = vector.broadcast %mul3A_153 : i32 to vector<16xi32>
        %mul3A_155 = arith.muli %iota3A, %mul3A_154 : vector<16xi32>
        %add3A_156 = arith.constant 8 : i32
        %add3A_157 = vector.broadcast %add3A_156 : i32 to vector<16xi32>
        %add3A_158 = arith.addi %mul3A_155, %add3A_157 : vector<16xi32>
        tpu.vector_store_idx %arg8[%add3A_69, %add3A_158], %gather3A_152 : memref<1024x16xi32, #tpu.memory_space<vmem>>[vector<16xi32>, vector<16xi32>], vector<16xi32>,
        %add3A_159 = arith.constant 9 : i32
        %add3A_160 = vector.broadcast %add3A_159 : i32 to vector<16xi32>
        %add3A_161 = arith.addi %mul3A_65, %add3A_160 : vector<16xi32>
        %gather3A_162 = tpu.vector_load_idx %arg5[%add3A_161] : memref<1536xi32, #tpu.memory_space<vmem>>[vector<16xi32>], vector<16xi32>,
        %mul3A_163 = arith.constant 0 : i32
        %mul3A_164 = vector.broadcast %mul3A_163 : i32 to vector<16xi32>
        %mul3A_165 = arith.muli %iota3A, %mul3A_164 : vector<16xi32>
        %add3A_166 = arith.constant 9 : i32
        %add3A_167 = vector.broadcast %add3A_166 : i32 to vector<16xi32>
        %add3A_168 = arith.addi %mul3A_165, %add3A_167 : vector<16xi32>
        tpu.vector_store_idx %arg8[%add3A_69, %add3A_168], %gather3A_162 : memref<1024x16xi32, #tpu.memory_space<vmem>>[vector<16xi32>, vector<16xi32>], vector<16xi32>,
        %add3A_169 = arith.constant 10 : i32
        %add3A_170 = vector.broadcast %add3A_169 : i32 to vector<16xi32>
        %add3A_171 = arith.addi %mul3A_65, %add3A_170 : vector<16xi32>
        %gather3A_172 = tpu.vector_load_idx %arg5[%add3A_171] : memref<1536xi32, #tpu.memory_space<vmem>>[vector<16xi32>], vector<16xi32>,
        %mul3A_173 = arith.constant 0 : i32
        %mul3A_174 = vector.broadcast %mul3A_173 : i32 to vector<16xi32>
        %mul3A_175 = arith.muli %iota3A, %mul3A_174 : vector<16xi32>
        %add3A_176 = arith.constant 10 : i32
        %add3A_177 = vector.broadcast %add3A_176 : i32 to vector<16xi32>
        %add3A_178 = arith.addi %mul3A_175, %add3A_177 : vector<16xi32>
        tpu.vector_store_idx %arg8[%add3A_69, %add3A_178], %gather3A_172 : memref<1024x16xi32, #tpu.memory_space<vmem>>[vector<16xi32>, vector<16xi32>], vector<16xi32>,
        %add3A_179 = arith.constant 11 : i32
        %add3A_180 = vector.broadcast %add3A_179 : i32 to vector<16xi32>
        %add3A_181 = arith.addi %mul3A_65, %add3A_180 : vector<16xi32>
        %gather3A_182 = tpu.vector_load_idx %arg5[%add3A_181] : memref<1536xi32, #tpu.memory_space<vmem>>[vector<16xi32>], vector<16xi32>,
        %mul3A_183 = arith.constant 0 : i32
        %mul3A_184 = vector.broadcast %mul3A_183 : i32 to vector<16xi32>
        %mul3A_185 = arith.muli %iota3A, %mul3A_184 : vector<16xi32>
        %add3A_186 = arith.constant 11 : i32
        %add3A_187 = vector.broadcast %add3A_186 : i32 to vector<16xi32>
        %add3A_188 = arith.addi %mul3A_185, %add3A_187 : vector<16xi32>
        tpu.vector_store_idx %arg8[%add3A_69, %add3A_188], %gather3A_182 : memref<1024x16xi32, #tpu.memory_space<vmem>>[vector<16xi32>, vector<16xi32>], vector<16xi32>,
        %add3A_189 = arith.constant 12 : i32
        %add3A_190 = vector.broadcast %add3A_189 : i32 to vector<16xi32>
        %add3A_191 = arith.addi %mul3A_65, %add3A_190 : vector<16xi32>
        %gather3A_192 = tpu.vector_load_idx %arg5[%add3A_191] : memref<1536xi32, #tpu.memory_space<vmem>>[vector<16xi32>], vector<16xi32>,
        %mul3A_193 = arith.constant 0 : i32
        %mul3A_194 = vector.broadcast %mul3A_193 : i32 to vector<16xi32>
        %mul3A_195 = arith.muli %iota3A, %mul3A_194 : vector<16xi32>
        %add3A_196 = arith.constant 12 : i32
        %add3A_197 = vector.broadcast %add3A_196 : i32 to vector<16xi32>
        %add3A_198 = arith.addi %mul3A_195, %add3A_197 : vector<16xi32>
        tpu.vector_store_idx %arg8[%add3A_69, %add3A_198], %gather3A_192 : memref<1024x16xi32, #tpu.memory_space<vmem>>[vector<16xi32>, vector<16xi32>], vector<16xi32>,
        %add3A_199 = arith.constant 13 : i32
        %add3A_200 = vector.broadcast %add3A_199 : i32 to vector<16xi32>
        %add3A_201 = arith.addi %mul3A_65, %add3A_200 : vector<16xi32>
        %gather3A_202 = tpu.vector_load_idx %arg5[%add3A_201] : memref<1536xi32, #tpu.memory_space<vmem>>[vector<16xi32>], vector<16xi32>,
        %mul3A_203 = arith.constant 0 : i32
        %mul3A_204 = vector.broadcast %mul3A_203 : i32 to vector<16xi32>
        %mul3A_205 = arith.muli %iota3A, %mul3A_204 : vector<16xi32>
        %add3A_206 = arith.constant 13 : i32
        %add3A_207 = vector.broadcast %add3A_206 : i32 to vector<16xi32>
        %add3A_208 = arith.addi %mul3A_205, %add3A_207 : vector<16xi32>
        tpu.vector_store_idx %arg8[%add3A_69, %add3A_208], %gather3A_202 : memref<1024x16xi32, #tpu.memory_space<vmem>>[vector<16xi32>, vector<16xi32>], vector<16xi32>,
        %add3A_209 = arith.constant 14 : i32
        %add3A_210 = vector.broadcast %add3A_209 : i32 to vector<16xi32>
        %add3A_211 = arith.addi %mul3A_65, %add3A_210 : vector<16xi32>
        %gather3A_212 = tpu.vector_load_idx %arg5[%add3A_211] : memref<1536xi32, #tpu.memory_space<vmem>>[vector<16xi32>], vector<16xi32>,
        %mul3A_213 = arith.constant 0 : i32
        %mul3A_214 = vector.broadcast %mul3A_213 : i32 to vector<16xi32>
        %mul3A_215 = arith.muli %iota3A, %mul3A_214 : vector<16xi32>
        %add3A_216 = arith.constant 14 : i32
        %add3A_217 = vector.broadcast %add3A_216 : i32 to vector<16xi32>
        %add3A_218 = arith.addi %mul3A_215, %add3A_217 : vector<16xi32>
        tpu.vector_store_idx %arg8[%add3A_69, %add3A_218], %gather3A_212 : memref<1024x16xi32, #tpu.memory_space<vmem>>[vector<16xi32>, vector<16xi32>], vector<16xi32>,
        %add3A_219 = arith.constant 15 : i32
        %add3A_220 = vector.broadcast %add3A_219 : i32 to vector<16xi32>
        %add3A_221 = arith.addi %mul3A_65, %add3A_220 : vector<16xi32>
        %gather3A_222 = tpu.vector_load_idx %arg5[%add3A_221] : memref<1536xi32, #tpu.memory_space<vmem>>[vector<16xi32>], vector<16xi32>,
        %mul3A_223 = arith.constant 0 : i32
        %mul3A_224 = vector.broadcast %mul3A_223 : i32 to vector<16xi32>
        %mul3A_225 = arith.muli %iota3A, %mul3A_224 : vector<16xi32>
        %add3A_226 = arith.constant 15 : i32
        %add3A_227 = vector.broadcast %add3A_226 : i32 to vector<16xi32>
        %add3A_228 = arith.addi %mul3A_225, %add3A_227 : vector<16xi32>
        tpu.vector_store_idx %arg8[%add3A_69, %add3A_228], %gather3A_222 : memref<1024x16xi32, #tpu.memory_space<vmem>>[vector<16xi32>, vector<16xi32>], vector<16xi32>,
      }
      %scan3A_48 = arith.constant 64 : i32
      %mul3A_49 = arith.constant 1024 : i32
      %mul3A_50 = arith.muli %add3A_37, %mul3A_49 : i32
      %add3A_51 = arith.addi %mul3A_2, %mul3A_50 : i32
      %dma_start3A_52 = arith.constant 0 : i32
      %dma_start3A_53 = tpu.memref_slice %arg4[%add3A_51, %dma_start3A_52] : memref<393216x16xi32, #tpu.memory_space<hbm>> -> memref<1024x16xi32, #tpu.memory_space<hbm>>
      %dma_start3A_54 = arith.constant 0 : i32
      %dma_start3A_55 = tpu.memref_slice %arg4[%add3A_51, %dma_start3A_54] : memref<393216x16xi32, #tpu.memory_space<hbm>> -> memref<1024x16xi32, #tpu.memory_space<hbm>>
      tpu.enqueue_dma source(%arg8 : memref<1024x16xi32, #tpu.memory_space<vmem>>) target(%dma_start3A_55 : memref<1024x16xi32, #tpu.memory_space<hbm>>) target_semaphore(%arg10 : memref<!tpu.dma_semaphore, #tpu.memory_space<semaphore_mem>>)
    }
    %scan3A_7 = arith.constant 6 : i32
    %dma_wait3A = arith.constant 0 : i32
    %dma_wait3A_8 = tpu.memref_slice %arg4[%mul3A_2, %dma_wait3A] : memref<393216x16xi32, #tpu.memory_space<hbm>> -> memref<1024x16xi32, #tpu.memory_space<hbm>>
    %dma_wait3A_9 = arith.constant 0 : i32
    %dma_wait3A_10 = tpu.memref_slice %arg4[%mul3A_2, %dma_wait3A_9] : memref<393216x16xi32, #tpu.memory_space<hbm>> -> memref<1024x16xi32, #tpu.memory_space<hbm>>
    tpu.wait_dma2 semaphore(%arg9 : memref<!tpu.dma_semaphore, #tpu.memory_space<semaphore_mem>>) src(%dma_wait3A_10 : memref<1024x16xi32, #tpu.memory_space<hbm>>) dst(%arg7 : memref<1024x16xi32, #tpu.memory_space<vmem>>)
    %dma_wait3A_11 = arith.constant 0 : i32
    %dma_wait3A_12 = tpu.memref_slice %arg4[%mul3A_2, %dma_wait3A_11] : memref<393216x16xi32, #tpu.memory_space<hbm>> -> memref<1024x16xi32, #tpu.memory_space<hbm>>
    %dma_wait3A_13 = arith.constant 0 : i32
    %dma_wait3A_14 = tpu.memref_slice %arg4[%mul3A_2, %dma_wait3A_13] : memref<393216x16xi32, #tpu.memory_space<hbm>> -> memref<1024x16xi32, #tpu.memory_space<hbm>>
    tpu.wait_dma2 semaphore(%arg10 : memref<!tpu.dma_semaphore, #tpu.memory_space<semaphore_mem>>) src(%dma_wait3A_14 : memref<1024x16xi32, #tpu.memory_space<hbm>>) dst(%arg8 : memref<1024x16xi32, #tpu.memory_space<vmem>>)
    return
  }
}

module attributes {stable_mosaic.version = 14 : i64} {
  func.func @_tc_body(%arg0: i32, %arg1: memref<128x384xi32, #tpu.memory_space<vmem>>, %arg2: memref<160x128xbf16, #tpu.memory_space<vmem>>, %arg3: memref<1x128xf32, #tpu.memory_space<vmem>>, %arg4: memref<128x256xf32, #tpu.memory_space<vmem>>, %arg5: memref<1x256xf32, #tpu.memory_space<vmem>>, %arg6: memref<128x128xf32, #tpu.memory_space<vmem>>) attributes {dimension_semantics = [#tpu.dimension_semantics<arbitrary>], iteration_bounds = array<i64: 128>, scalar_prefetch = 0 : i64, scratch_operands = 0 : i64, tpu.core_type = #tpu.core_type<tc>, window_params = [{transform_indices = @transform_0, window_bounds = array<i64: 128, 384>}, {pipeline_mode = #tpu.pipeline_mode<synchronous>, transform_indices = @transform_1, window_bounds = array<i64: 160, 128>}, {pipeline_mode = #tpu.pipeline_mode<synchronous>, transform_indices = @transform_2, window_bounds = array<i64: 1, 128>}, {pipeline_mode = #tpu.pipeline_mode<synchronous>, transform_indices = @transform_3, window_bounds = array<i64: 128, 256>}, {pipeline_mode = #tpu.pipeline_mode<synchronous>, transform_indices = @transform_4, window_bounds = array<i64: 1, 256>}, {transform_indices = @transform_5, window_bounds = array<i64: 128, 128>}]} {
    %get3A = arith.constant 0 : index
    %get3A_0 = arith.constant 0 : index
    %get3A_1 = vector.load %arg1[%get3A, %get3A_0] : memref<128x384xi32, #tpu.memory_space<vmem>>, vector<128x384xi32>
    %shift_left3A = arith.constant 16 : i32
    %shift_left3A_2 = vector.broadcast %shift_left3A : i32 to vector<128x384xi32>
    %shift_left3A_3 = arith.shli %get3A_1, %shift_left3A_2 : vector<128x384xi32>
    %bitcast_convert_type3A = tpu.bitcast %shift_left3A_3 : vector<128x384xi32> -> vector<128x384xf32>
    %convert_element_type3A = arith.truncf %bitcast_convert_type3A : vector<128x384xf32> to vector<128x384xbf16>
    %and3A = arith.constant -65536 : i32
    %and3A_4 = vector.broadcast %and3A : i32 to vector<128x384xi32>
    %and3A_5 = arith.andi %get3A_1, %and3A_4 : vector<128x384xi32>
    %bitcast_convert_type3A_6 = tpu.bitcast %and3A_5 : vector<128x384xi32> -> vector<128x384xf32>
    %convert_element_type3A_7 = arith.truncf %bitcast_convert_type3A_6 : vector<128x384xf32> to vector<128x384xbf16>
    %slice3A = vector.extract_strided_slice %convert_element_type3A {offsets = [0, 0], sizes = [128, 80], strides = [1, 1]} : vector<128x384xbf16> to vector<128x80xbf16>
    %slice3A_8 = vector.extract_strided_slice %convert_element_type3A_7 {offsets = [0, 0], sizes = [128, 80], strides = [1, 1]} : vector<128x384xbf16> to vector<128x80xbf16>
    %concatenate3A = tpu.concatenate %slice3A, %slice3A_8 in 1 : vector<128x80xbf16>, vector<128x80xbf16> -> vector<128x160xbf16>
    %get3A_9 = arith.constant 0 : index
    %get3A_10 = arith.constant 0 : index
    %get3A_11 = vector.load %arg2[%get3A_9, %get3A_10] : memref<160x128xbf16, #tpu.memory_space<vmem>>, vector<160x128xbf16>
    %dot_general3A = arith.constant dense<0.000000e+00> : vector<128x128xf32>
    %dot_general3A_12 = tpu.matmul %concatenate3A, %get3A_11, %dot_general3A {dimension_numbers = #tpu.dot_dimension_numbers<[1], [0], [0], [1], [0, 0, 1, 1], [], []>, transpose_lhs_hint = false} : vector<128x160xbf16>, vector<160x128xbf16>, vector<128x128xf32> -> vector<128x128xf32>
    %slice3A_13 = vector.extract_strided_slice %convert_element_type3A {offsets = [0, 16], sizes = [128, 80], strides = [1, 1]} : vector<128x384xbf16> to vector<128x80xbf16>
    %slice3A_14 = vector.extract_strided_slice %convert_element_type3A_7 {offsets = [0, 16], sizes = [128, 80], strides = [1, 1]} : vector<128x384xbf16> to vector<128x80xbf16>
    %concatenate3A_15 = tpu.concatenate %slice3A_13, %slice3A_14 in 1 : vector<128x80xbf16>, vector<128x80xbf16> -> vector<128x160xbf16>
    %get3A_16 = arith.constant 0 : index
    %get3A_17 = arith.constant 0 : index
    %get3A_18 = vector.load %arg2[%get3A_16, %get3A_17] : memref<160x128xbf16, #tpu.memory_space<vmem>>, vector<160x128xbf16>
    %dot_general3A_19 = arith.constant dense<0.000000e+00> : vector<128x128xf32>
    %dot_general3A_20 = tpu.matmul %concatenate3A_15, %get3A_18, %dot_general3A_19 {dimension_numbers = #tpu.dot_dimension_numbers<[1], [0], [0], [1], [0, 0, 1, 1], [], []>, transpose_lhs_hint = false} : vector<128x160xbf16>, vector<160x128xbf16>, vector<128x128xf32> -> vector<128x128xf32>
    %max3A = arith.maximumf %dot_general3A_12, %dot_general3A_20 : vector<128x128xf32>
    %slice3A_21 = vector.extract_strided_slice %convert_element_type3A {offsets = [0, 32], sizes = [128, 80], strides = [1, 1]} : vector<128x384xbf16> to vector<128x80xbf16>
    %slice3A_22 = vector.extract_strided_slice %convert_element_type3A_7 {offsets = [0, 32], sizes = [128, 80], strides = [1, 1]} : vector<128x384xbf16> to vector<128x80xbf16>
    %concatenate3A_23 = tpu.concatenate %slice3A_21, %slice3A_22 in 1 : vector<128x80xbf16>, vector<128x80xbf16> -> vector<128x160xbf16>
    %get3A_24 = arith.constant 0 : index
    %get3A_25 = arith.constant 0 : index
    %get3A_26 = vector.load %arg2[%get3A_24, %get3A_25] : memref<160x128xbf16, #tpu.memory_space<vmem>>, vector<160x128xbf16>
    %dot_general3A_27 = arith.constant dense<0.000000e+00> : vector<128x128xf32>
    %dot_general3A_28 = tpu.matmul %concatenate3A_23, %get3A_26, %dot_general3A_27 {dimension_numbers = #tpu.dot_dimension_numbers<[1], [0], [0], [1], [0, 0, 1, 1], [], []>, transpose_lhs_hint = false} : vector<128x160xbf16>, vector<160x128xbf16>, vector<128x128xf32> -> vector<128x128xf32>
    %max3A_29 = arith.maximumf %max3A, %dot_general3A_28 : vector<128x128xf32>
    %slice3A_30 = vector.extract_strided_slice %convert_element_type3A {offsets = [0, 48], sizes = [128, 80], strides = [1, 1]} : vector<128x384xbf16> to vector<128x80xbf16>
    %slice3A_31 = vector.extract_strided_slice %convert_element_type3A_7 {offsets = [0, 48], sizes = [128, 80], strides = [1, 1]} : vector<128x384xbf16> to vector<128x80xbf16>
    %concatenate3A_32 = tpu.concatenate %slice3A_30, %slice3A_31 in 1 : vector<128x80xbf16>, vector<128x80xbf16> -> vector<128x160xbf16>
    %get3A_33 = arith.constant 0 : index
    %get3A_34 = arith.constant 0 : index
    %get3A_35 = vector.load %arg2[%get3A_33, %get3A_34] : memref<160x128xbf16, #tpu.memory_space<vmem>>, vector<160x128xbf16>
    %dot_general3A_36 = arith.constant dense<0.000000e+00> : vector<128x128xf32>
    %dot_general3A_37 = tpu.matmul %concatenate3A_32, %get3A_35, %dot_general3A_36 {dimension_numbers = #tpu.dot_dimension_numbers<[1], [0], [0], [1], [0, 0, 1, 1], [], []>, transpose_lhs_hint = false} : vector<128x160xbf16>, vector<160x128xbf16>, vector<128x128xf32> -> vector<128x128xf32>
    %max3A_38 = arith.maximumf %max3A_29, %dot_general3A_37 : vector<128x128xf32>
    %slice3A_39 = vector.extract_strided_slice %convert_element_type3A {offsets = [0, 64], sizes = [128, 80], strides = [1, 1]} : vector<128x384xbf16> to vector<128x80xbf16>
    %slice3A_40 = vector.extract_strided_slice %convert_element_type3A_7 {offsets = [0, 64], sizes = [128, 80], strides = [1, 1]} : vector<128x384xbf16> to vector<128x80xbf16>
    %concatenate3A_41 = tpu.concatenate %slice3A_39, %slice3A_40 in 1 : vector<128x80xbf16>, vector<128x80xbf16> -> vector<128x160xbf16>
    %get3A_42 = arith.constant 0 : index
    %get3A_43 = arith.constant 0 : index
    %get3A_44 = vector.load %arg2[%get3A_42, %get3A_43] : memref<160x128xbf16, #tpu.memory_space<vmem>>, vector<160x128xbf16>
    %dot_general3A_45 = arith.constant dense<0.000000e+00> : vector<128x128xf32>
    %dot_general3A_46 = tpu.matmul %concatenate3A_41, %get3A_44, %dot_general3A_45 {dimension_numbers = #tpu.dot_dimension_numbers<[1], [0], [0], [1], [0, 0, 1, 1], [], []>, transpose_lhs_hint = false} : vector<128x160xbf16>, vector<160x128xbf16>, vector<128x128xf32> -> vector<128x128xf32>
    %max3A_47 = arith.maximumf %max3A_38, %dot_general3A_46 : vector<128x128xf32>
    %slice3A_48 = vector.extract_strided_slice %convert_element_type3A {offsets = [0, 80], sizes = [128, 80], strides = [1, 1]} : vector<128x384xbf16> to vector<128x80xbf16>
    %slice3A_49 = vector.extract_strided_slice %convert_element_type3A_7 {offsets = [0, 80], sizes = [128, 80], strides = [1, 1]} : vector<128x384xbf16> to vector<128x80xbf16>
    %concatenate3A_50 = tpu.concatenate %slice3A_48, %slice3A_49 in 1 : vector<128x80xbf16>, vector<128x80xbf16> -> vector<128x160xbf16>
    %get3A_51 = arith.constant 0 : index
    %get3A_52 = arith.constant 0 : index
    %get3A_53 = vector.load %arg2[%get3A_51, %get3A_52] : memref<160x128xbf16, #tpu.memory_space<vmem>>, vector<160x128xbf16>
    %dot_general3A_54 = arith.constant dense<0.000000e+00> : vector<128x128xf32>
    %dot_general3A_55 = tpu.matmul %concatenate3A_50, %get3A_53, %dot_general3A_54 {dimension_numbers = #tpu.dot_dimension_numbers<[1], [0], [0], [1], [0, 0, 1, 1], [], []>, transpose_lhs_hint = false} : vector<128x160xbf16>, vector<160x128xbf16>, vector<128x128xf32> -> vector<128x128xf32>
    %max3A_56 = arith.maximumf %max3A_47, %dot_general3A_55 : vector<128x128xf32>
    %slice3A_57 = vector.extract_strided_slice %convert_element_type3A {offsets = [0, 96], sizes = [128, 80], strides = [1, 1]} : vector<128x384xbf16> to vector<128x80xbf16>
    %slice3A_58 = vector.extract_strided_slice %convert_element_type3A_7 {offsets = [0, 96], sizes = [128, 80], strides = [1, 1]} : vector<128x384xbf16> to vector<128x80xbf16>
    %concatenate3A_59 = tpu.concatenate %slice3A_57, %slice3A_58 in 1 : vector<128x80xbf16>, vector<128x80xbf16> -> vector<128x160xbf16>
    %get3A_60 = arith.constant 0 : index
    %get3A_61 = arith.constant 0 : index
    %get3A_62 = vector.load %arg2[%get3A_60, %get3A_61] : memref<160x128xbf16, #tpu.memory_space<vmem>>, vector<160x128xbf16>
    %dot_general3A_63 = arith.constant dense<0.000000e+00> : vector<128x128xf32>
    %dot_general3A_64 = tpu.matmul %concatenate3A_59, %get3A_62, %dot_general3A_63 {dimension_numbers = #tpu.dot_dimension_numbers<[1], [0], [0], [1], [0, 0, 1, 1], [], []>, transpose_lhs_hint = false} : vector<128x160xbf16>, vector<160x128xbf16>, vector<128x128xf32> -> vector<128x128xf32>
    %max3A_65 = arith.maximumf %max3A_56, %dot_general3A_64 : vector<128x128xf32>
    %slice3A_66 = vector.extract_strided_slice %convert_element_type3A {offsets = [0, 112], sizes = [128, 80], strides = [1, 1]} : vector<128x384xbf16> to vector<128x80xbf16>
    %slice3A_67 = vector.extract_strided_slice %convert_element_type3A_7 {offsets = [0, 112], sizes = [128, 80], strides = [1, 1]} : vector<128x384xbf16> to vector<128x80xbf16>
    %concatenate3A_68 = tpu.concatenate %slice3A_66, %slice3A_67 in 1 : vector<128x80xbf16>, vector<128x80xbf16> -> vector<128x160xbf16>
    %get3A_69 = arith.constant 0 : index
    %get3A_70 = arith.constant 0 : index
    %get3A_71 = vector.load %arg2[%get3A_69, %get3A_70] : memref<160x128xbf16, #tpu.memory_space<vmem>>, vector<160x128xbf16>
    %dot_general3A_72 = arith.constant dense<0.000000e+00> : vector<128x128xf32>
    %dot_general3A_73 = tpu.matmul %concatenate3A_68, %get3A_71, %dot_general3A_72 {dimension_numbers = #tpu.dot_dimension_numbers<[1], [0], [0], [1], [0, 0, 1, 1], [], []>, transpose_lhs_hint = false} : vector<128x160xbf16>, vector<160x128xbf16>, vector<128x128xf32> -> vector<128x128xf32>
    %max3A_74 = arith.maximumf %max3A_65, %dot_general3A_73 : vector<128x128xf32>
    %slice3A_75 = vector.extract_strided_slice %convert_element_type3A {offsets = [0, 128], sizes = [128, 80], strides = [1, 1]} : vector<128x384xbf16> to vector<128x80xbf16>
    %slice3A_76 = vector.extract_strided_slice %convert_element_type3A_7 {offsets = [0, 128], sizes = [128, 80], strides = [1, 1]} : vector<128x384xbf16> to vector<128x80xbf16>
    %concatenate3A_77 = tpu.concatenate %slice3A_75, %slice3A_76 in 1 : vector<128x80xbf16>, vector<128x80xbf16> -> vector<128x160xbf16>
    %get3A_78 = arith.constant 0 : index
    %get3A_79 = arith.constant 0 : index
    %get3A_80 = vector.load %arg2[%get3A_78, %get3A_79] : memref<160x128xbf16, #tpu.memory_space<vmem>>, vector<160x128xbf16>
    %dot_general3A_81 = arith.constant dense<0.000000e+00> : vector<128x128xf32>
    %dot_general3A_82 = tpu.matmul %concatenate3A_77, %get3A_80, %dot_general3A_81 {dimension_numbers = #tpu.dot_dimension_numbers<[1], [0], [0], [1], [0, 0, 1, 1], [], []>, transpose_lhs_hint = false} : vector<128x160xbf16>, vector<160x128xbf16>, vector<128x128xf32> -> vector<128x128xf32>
    %max3A_83 = arith.maximumf %max3A_74, %dot_general3A_82 : vector<128x128xf32>
    %slice3A_84 = vector.extract_strided_slice %convert_element_type3A {offsets = [0, 144], sizes = [128, 80], strides = [1, 1]} : vector<128x384xbf16> to vector<128x80xbf16>
    %slice3A_85 = vector.extract_strided_slice %convert_element_type3A_7 {offsets = [0, 144], sizes = [128, 80], strides = [1, 1]} : vector<128x384xbf16> to vector<128x80xbf16>
    %concatenate3A_86 = tpu.concatenate %slice3A_84, %slice3A_85 in 1 : vector<128x80xbf16>, vector<128x80xbf16> -> vector<128x160xbf16>
    %get3A_87 = arith.constant 0 : index
    %get3A_88 = arith.constant 0 : index
    %get3A_89 = vector.load %arg2[%get3A_87, %get3A_88] : memref<160x128xbf16, #tpu.memory_space<vmem>>, vector<160x128xbf16>
    %dot_general3A_90 = arith.constant dense<0.000000e+00> : vector<128x128xf32>
    %dot_general3A_91 = tpu.matmul %concatenate3A_86, %get3A_89, %dot_general3A_90 {dimension_numbers = #tpu.dot_dimension_numbers<[1], [0], [0], [1], [0, 0, 1, 1], [], []>, transpose_lhs_hint = false} : vector<128x160xbf16>, vector<160x128xbf16>, vector<128x128xf32> -> vector<128x128xf32>
    %max3A_92 = arith.maximumf %max3A_83, %dot_general3A_91 : vector<128x128xf32>
    %slice3A_93 = vector.extract_strided_slice %convert_element_type3A {offsets = [0, 160], sizes = [128, 80], strides = [1, 1]} : vector<128x384xbf16> to vector<128x80xbf16>
    %slice3A_94 = vector.extract_strided_slice %convert_element_type3A_7 {offsets = [0, 160], sizes = [128, 80], strides = [1, 1]} : vector<128x384xbf16> to vector<128x80xbf16>
    %concatenate3A_95 = tpu.concatenate %slice3A_93, %slice3A_94 in 1 : vector<128x80xbf16>, vector<128x80xbf16> -> vector<128x160xbf16>
    %get3A_96 = arith.constant 0 : index
    %get3A_97 = arith.constant 0 : index
    %get3A_98 = vector.load %arg2[%get3A_96, %get3A_97] : memref<160x128xbf16, #tpu.memory_space<vmem>>, vector<160x128xbf16>
    %dot_general3A_99 = arith.constant dense<0.000000e+00> : vector<128x128xf32>
    %dot_general3A_100 = tpu.matmul %concatenate3A_95, %get3A_98, %dot_general3A_99 {dimension_numbers = #tpu.dot_dimension_numbers<[1], [0], [0], [1], [0, 0, 1, 1], [], []>, transpose_lhs_hint = false} : vector<128x160xbf16>, vector<160x128xbf16>, vector<128x128xf32> -> vector<128x128xf32>
    %max3A_101 = arith.maximumf %max3A_92, %dot_general3A_100 : vector<128x128xf32>
    %slice3A_102 = vector.extract_strided_slice %convert_element_type3A {offsets = [0, 176], sizes = [128, 80], strides = [1, 1]} : vector<128x384xbf16> to vector<128x80xbf16>
    %slice3A_103 = vector.extract_strided_slice %convert_element_type3A_7 {offsets = [0, 176], sizes = [128, 80], strides = [1, 1]} : vector<128x384xbf16> to vector<128x80xbf16>
    %concatenate3A_104 = tpu.concatenate %slice3A_102, %slice3A_103 in 1 : vector<128x80xbf16>, vector<128x80xbf16> -> vector<128x160xbf16>
    %get3A_105 = arith.constant 0 : index
    %get3A_106 = arith.constant 0 : index
    %get3A_107 = vector.load %arg2[%get3A_105, %get3A_106] : memref<160x128xbf16, #tpu.memory_space<vmem>>, vector<160x128xbf16>
    %dot_general3A_108 = arith.constant dense<0.000000e+00> : vector<128x128xf32>
    %dot_general3A_109 = tpu.matmul %concatenate3A_104, %get3A_107, %dot_general3A_108 {dimension_numbers = #tpu.dot_dimension_numbers<[1], [0], [0], [1], [0, 0, 1, 1], [], []>, transpose_lhs_hint = false} : vector<128x160xbf16>, vector<160x128xbf16>, vector<128x128xf32> -> vector<128x128xf32>
    %max3A_110 = arith.maximumf %max3A_101, %dot_general3A_109 : vector<128x128xf32>
    %slice3A_111 = vector.extract_strided_slice %convert_element_type3A {offsets = [0, 192], sizes = [128, 80], strides = [1, 1]} : vector<128x384xbf16> to vector<128x80xbf16>
    %slice3A_112 = vector.extract_strided_slice %convert_element_type3A_7 {offsets = [0, 192], sizes = [128, 80], strides = [1, 1]} : vector<128x384xbf16> to vector<128x80xbf16>
    %concatenate3A_113 = tpu.concatenate %slice3A_111, %slice3A_112 in 1 : vector<128x80xbf16>, vector<128x80xbf16> -> vector<128x160xbf16>
    %get3A_114 = arith.constant 0 : index
    %get3A_115 = arith.constant 0 : index
    %get3A_116 = vector.load %arg2[%get3A_114, %get3A_115] : memref<160x128xbf16, #tpu.memory_space<vmem>>, vector<160x128xbf16>
    %dot_general3A_117 = arith.constant dense<0.000000e+00> : vector<128x128xf32>
    %dot_general3A_118 = tpu.matmul %concatenate3A_113, %get3A_116, %dot_general3A_117 {dimension_numbers = #tpu.dot_dimension_numbers<[1], [0], [0], [1], [0, 0, 1, 1], [], []>, transpose_lhs_hint = false} : vector<128x160xbf16>, vector<160x128xbf16>, vector<128x128xf32> -> vector<128x128xf32>
    %max3A_119 = arith.maximumf %max3A_110, %dot_general3A_118 : vector<128x128xf32>
    %slice3A_120 = vector.extract_strided_slice %convert_element_type3A {offsets = [0, 208], sizes = [128, 80], strides = [1, 1]} : vector<128x384xbf16> to vector<128x80xbf16>
    %slice3A_121 = vector.extract_strided_slice %convert_element_type3A_7 {offsets = [0, 208], sizes = [128, 80], strides = [1, 1]} : vector<128x384xbf16> to vector<128x80xbf16>
    %concatenate3A_122 = tpu.concatenate %slice3A_120, %slice3A_121 in 1 : vector<128x80xbf16>, vector<128x80xbf16> -> vector<128x160xbf16>
    %get3A_123 = arith.constant 0 : index
    %get3A_124 = arith.constant 0 : index
    %get3A_125 = vector.load %arg2[%get3A_123, %get3A_124] : memref<160x128xbf16, #tpu.memory_space<vmem>>, vector<160x128xbf16>
    %dot_general3A_126 = arith.constant dense<0.000000e+00> : vector<128x128xf32>
    %dot_general3A_127 = tpu.matmul %concatenate3A_122, %get3A_125, %dot_general3A_126 {dimension_numbers = #tpu.dot_dimension_numbers<[1], [0], [0], [1], [0, 0, 1, 1], [], []>, transpose_lhs_hint = false} : vector<128x160xbf16>, vector<160x128xbf16>, vector<128x128xf32> -> vector<128x128xf32>
    %max3A_128 = arith.maximumf %max3A_119, %dot_general3A_127 : vector<128x128xf32>
    %slice3A_129 = vector.extract_strided_slice %convert_element_type3A {offsets = [0, 224], sizes = [128, 80], strides = [1, 1]} : vector<128x384xbf16> to vector<128x80xbf16>
    %slice3A_130 = vector.extract_strided_slice %convert_element_type3A_7 {offsets = [0, 224], sizes = [128, 80], strides = [1, 1]} : vector<128x384xbf16> to vector<128x80xbf16>
    %concatenate3A_131 = tpu.concatenate %slice3A_129, %slice3A_130 in 1 : vector<128x80xbf16>, vector<128x80xbf16> -> vector<128x160xbf16>
    %get3A_132 = arith.constant 0 : index
    %get3A_133 = arith.constant 0 : index
    %get3A_134 = vector.load %arg2[%get3A_132, %get3A_133] : memref<160x128xbf16, #tpu.memory_space<vmem>>, vector<160x128xbf16>
    %dot_general3A_135 = arith.constant dense<0.000000e+00> : vector<128x128xf32>
    %dot_general3A_136 = tpu.matmul %concatenate3A_131, %get3A_134, %dot_general3A_135 {dimension_numbers = #tpu.dot_dimension_numbers<[1], [0], [0], [1], [0, 0, 1, 1], [], []>, transpose_lhs_hint = false} : vector<128x160xbf16>, vector<160x128xbf16>, vector<128x128xf32> -> vector<128x128xf32>
    %max3A_137 = arith.maximumf %max3A_128, %dot_general3A_136 : vector<128x128xf32>
    %slice3A_138 = vector.extract_strided_slice %convert_element_type3A {offsets = [0, 240], sizes = [128, 80], strides = [1, 1]} : vector<128x384xbf16> to vector<128x80xbf16>
    %slice3A_139 = vector.extract_strided_slice %convert_element_type3A_7 {offsets = [0, 240], sizes = [128, 80], strides = [1, 1]} : vector<128x384xbf16> to vector<128x80xbf16>
    %concatenate3A_140 = tpu.concatenate %slice3A_138, %slice3A_139 in 1 : vector<128x80xbf16>, vector<128x80xbf16> -> vector<128x160xbf16>
    %get3A_141 = arith.constant 0 : index
    %get3A_142 = arith.constant 0 : index
    %get3A_143 = vector.load %arg2[%get3A_141, %get3A_142] : memref<160x128xbf16, #tpu.memory_space<vmem>>, vector<160x128xbf16>
    %dot_general3A_144 = arith.constant dense<0.000000e+00> : vector<128x128xf32>
    %dot_general3A_145 = tpu.matmul %concatenate3A_140, %get3A_143, %dot_general3A_144 {dimension_numbers = #tpu.dot_dimension_numbers<[1], [0], [0], [1], [0, 0, 1, 1], [], []>, transpose_lhs_hint = false} : vector<128x160xbf16>, vector<160x128xbf16>, vector<128x128xf32> -> vector<128x128xf32>
    %max3A_146 = arith.maximumf %max3A_137, %dot_general3A_145 : vector<128x128xf32>
    %slice3A_147 = vector.extract_strided_slice %convert_element_type3A {offsets = [0, 256], sizes = [128, 80], strides = [1, 1]} : vector<128x384xbf16> to vector<128x80xbf16>
    %slice3A_148 = vector.extract_strided_slice %convert_element_type3A_7 {offsets = [0, 256], sizes = [128, 80], strides = [1, 1]} : vector<128x384xbf16> to vector<128x80xbf16>
    %concatenate3A_149 = tpu.concatenate %slice3A_147, %slice3A_148 in 1 : vector<128x80xbf16>, vector<128x80xbf16> -> vector<128x160xbf16>
    %get3A_150 = arith.constant 0 : index
    %get3A_151 = arith.constant 0 : index
    %get3A_152 = vector.load %arg2[%get3A_150, %get3A_151] : memref<160x128xbf16, #tpu.memory_space<vmem>>, vector<160x128xbf16>
    %dot_general3A_153 = arith.constant dense<0.000000e+00> : vector<128x128xf32>
    %dot_general3A_154 = tpu.matmul %concatenate3A_149, %get3A_152, %dot_general3A_153 {dimension_numbers = #tpu.dot_dimension_numbers<[1], [0], [0], [1], [0, 0, 1, 1], [], []>, transpose_lhs_hint = false} : vector<128x160xbf16>, vector<160x128xbf16>, vector<128x128xf32> -> vector<128x128xf32>
    %max3A_155 = arith.maximumf %max3A_146, %dot_general3A_154 : vector<128x128xf32>
    %slice3A_156 = vector.extract_strided_slice %convert_element_type3A {offsets = [0, 272], sizes = [128, 80], strides = [1, 1]} : vector<128x384xbf16> to vector<128x80xbf16>
    %slice3A_157 = vector.extract_strided_slice %convert_element_type3A_7 {offsets = [0, 272], sizes = [128, 80], strides = [1, 1]} : vector<128x384xbf16> to vector<128x80xbf16>
    %concatenate3A_158 = tpu.concatenate %slice3A_156, %slice3A_157 in 1 : vector<128x80xbf16>, vector<128x80xbf16> -> vector<128x160xbf16>
    %get3A_159 = arith.constant 0 : index
    %get3A_160 = arith.constant 0 : index
    %get3A_161 = vector.load %arg2[%get3A_159, %get3A_160] : memref<160x128xbf16, #tpu.memory_space<vmem>>, vector<160x128xbf16>
    %dot_general3A_162 = arith.constant dense<0.000000e+00> : vector<128x128xf32>
    %dot_general3A_163 = tpu.matmul %concatenate3A_158, %get3A_161, %dot_general3A_162 {dimension_numbers = #tpu.dot_dimension_numbers<[1], [0], [0], [1], [0, 0, 1, 1], [], []>, transpose_lhs_hint = false} : vector<128x160xbf16>, vector<160x128xbf16>, vector<128x128xf32> -> vector<128x128xf32>
    %max3A_164 = arith.maximumf %max3A_155, %dot_general3A_163 : vector<128x128xf32>
    %slice3A_165 = vector.extract_strided_slice %convert_element_type3A {offsets = [0, 288], sizes = [128, 80], strides = [1, 1]} : vector<128x384xbf16> to vector<128x80xbf16>
    %slice3A_166 = vector.extract_strided_slice %convert_element_type3A_7 {offsets = [0, 288], sizes = [128, 80], strides = [1, 1]} : vector<128x384xbf16> to vector<128x80xbf16>
    %concatenate3A_167 = tpu.concatenate %slice3A_165, %slice3A_166 in 1 : vector<128x80xbf16>, vector<128x80xbf16> -> vector<128x160xbf16>
    %get3A_168 = arith.constant 0 : index
    %get3A_169 = arith.constant 0 : index
    %get3A_170 = vector.load %arg2[%get3A_168, %get3A_169] : memref<160x128xbf16, #tpu.memory_space<vmem>>, vector<160x128xbf16>
    %dot_general3A_171 = arith.constant dense<0.000000e+00> : vector<128x128xf32>
    %dot_general3A_172 = tpu.matmul %concatenate3A_167, %get3A_170, %dot_general3A_171 {dimension_numbers = #tpu.dot_dimension_numbers<[1], [0], [0], [1], [0, 0, 1, 1], [], []>, transpose_lhs_hint = false} : vector<128x160xbf16>, vector<160x128xbf16>, vector<128x128xf32> -> vector<128x128xf32>
    %max3A_173 = arith.maximumf %max3A_164, %dot_general3A_172 : vector<128x128xf32>
    %get3A_174 = arith.constant 0 : index
    %get3A_175 = arith.constant 0 : index
    %get3A_176 = vector.load %arg3[%get3A_174, %get3A_175] : memref<1x128xf32, #tpu.memory_space<vmem>>, vector<1x128xf32>
    %add3A = vector.broadcast %get3A_176 : vector<1x128xf32> to vector<128x128xf32>
    %add3A_177 = arith.addf %max3A_173, %add3A : vector<128x128xf32>
    %max3A_178 = arith.constant 0.000000e+00 : f32
    %max3A_179 = vector.broadcast %max3A_178 : f32 to vector<128x128xf32>
    %max3A_180 = arith.maximumf %add3A_177, %max3A_179 : vector<128x128xf32>
    %get3A_181 = arith.constant 0 : index
    %get3A_182 = arith.constant 0 : index
    %get3A_183 = vector.load %arg4[%get3A_181, %get3A_182] : memref<128x256xf32, #tpu.memory_space<vmem>>, vector<128x256xf32>
    %dot_general3A_184 = arith.constant dense<0.000000e+00> : vector<128x256xf32>
    %dot_general3A_185 = tpu.matmul %max3A_180, %get3A_183, %dot_general3A_184 {dimension_numbers = #tpu.dot_dimension_numbers<[1], [0], [0], [1], [0, 0, 1, 1], [], []>, transpose_lhs_hint = false} : vector<128x128xf32>, vector<128x256xf32>, vector<128x256xf32> -> vector<128x256xf32>
    %get3A_186 = arith.constant 0 : index
    %get3A_187 = arith.constant 0 : index
    %get3A_188 = vector.load %arg5[%get3A_186, %get3A_187] : memref<1x256xf32, #tpu.memory_space<vmem>>, vector<1x256xf32>
    %add3A_189 = vector.broadcast %get3A_188 : vector<1x256xf32> to vector<128x256xf32>
    %add3A_190 = arith.addf %dot_general3A_185, %add3A_189 : vector<128x256xf32>
    %slice3A_191 = vector.extract_strided_slice %add3A_190 {offsets = [0, 0], sizes = [128, 128], strides = [1, 1]} : vector<128x256xf32> to vector<128x128xf32>
    %max3A_192 = arith.constant 0.000000e+00 : f32
    %max3A_193 = vector.broadcast %max3A_192 : f32 to vector<128x128xf32>
    %max3A_194 = arith.maximumf %slice3A_191, %max3A_193 : vector<128x128xf32>
    %slice3A_195 = vector.extract_strided_slice %add3A_190 {offsets = [0, 128], sizes = [128, 128], strides = [1, 1]} : vector<128x256xf32> to vector<128x128xf32>
    %neg3A = arith.constant 0.000000e+00 : f32
    %neg3A_196 = vector.broadcast %neg3A : f32 to vector<128x128xf32>
    %neg3A_197 = arith.subf %neg3A_196, %slice3A_195 : vector<128x128xf32>
    %exp3A = math.exp %neg3A_197 : vector<128x128xf32>
    %add3A_198 = arith.constant 1.000000e+00 : f32
    %add3A_199 = vector.broadcast %add3A_198 : f32 to vector<128x128xf32>
    %add3A_200 = arith.addf %add3A_199, %exp3A : vector<128x128xf32>
    %div3A = arith.constant 1.000000e+00 : f32
    %div3A_201 = vector.broadcast %div3A : f32 to vector<128x128xf32>
    %div3A_202 = arith.divf %div3A_201, %add3A_200 : vector<128x128xf32>
    %mul3A = arith.mulf %div3A_202, %max3A_194 : vector<128x128xf32>
    %sub3A = arith.constant 1.000000e+00 : f32
    %sub3A_203 = vector.broadcast %sub3A : f32 to vector<128x128xf32>
    %sub3A_204 = arith.subf %sub3A_203, %div3A_202 : vector<128x128xf32>
    %mul3A_205 = arith.mulf %sub3A_204, %max3A_180 : vector<128x128xf32>
    %add3A_206 = arith.addf %mul3A, %mul3A_205 : vector<128x128xf32>
    %swap3A = arith.constant 0 : index
    %swap3A_207 = arith.constant 0 : index
    %swap3A_208 = vector.load %arg6[%swap3A, %swap3A_207] : memref<128x128xf32, #tpu.memory_space<vmem>>, vector<128x128xf32>
    tpu.vector_store %arg6[%swap3A, %swap3A_207], %add3A_206 {strides = array<i32>} : memref<128x128xf32, #tpu.memory_space<vmem>>, vector<128x128xf32>,
    return
  }
  func.func @transform_0(%arg0: i32) -> (i32, i32) {
    %c0_i32 = arith.constant 0 : i32
    %c0_i32_0 = arith.constant 0 : i32
    return %arg0, %c0_i32 : i32, i32
  }
  func.func @transform_1(%arg0: i32) -> (i32, i32) {
    %c0_i32 = arith.constant 0 : i32
    %c0_i32_0 = arith.constant 0 : i32
    %c0_i32_1 = arith.constant 0 : i32
    return %c0_i32, %c0_i32_0 : i32, i32
  }
  func.func @transform_2(%arg0: i32) -> (i32, i32) {
    %c0_i32 = arith.constant 0 : i32
    %c0_i32_0 = arith.constant 0 : i32
    %c0_i32_1 = arith.constant 0 : i32
    return %c0_i32, %c0_i32_0 : i32, i32
  }
  func.func @transform_3(%arg0: i32) -> (i32, i32) {
    %c0_i32 = arith.constant 0 : i32
    %c0_i32_0 = arith.constant 0 : i32
    %c0_i32_1 = arith.constant 0 : i32
    return %c0_i32, %c0_i32_0 : i32, i32
  }
  func.func @transform_4(%arg0: i32) -> (i32, i32) {
    %c0_i32 = arith.constant 0 : i32
    %c0_i32_0 = arith.constant 0 : i32
    %c0_i32_1 = arith.constant 0 : i32
    return %c0_i32, %c0_i32_0 : i32, i32
  }
  func.func @transform_5(%arg0: i32) -> (i32, i32) {
    %c0_i32 = arith.constant 0 : i32
    %c0_i32_0 = arith.constant 0 : i32
    return %arg0, %c0_i32 : i32, i32
  }
}

</mosaic_0001>

<sc_bundles>
// kernel: kernel.6.cloned.1.call-start
scs
__scs_entry_jumppad:
0x0: {  	(pc) =	sbr.rel $0x88, $3  }
0x1: {  	(tag) =	ssettag $0x0;
	lr =	simm.s32 $0x1  }
0x2: {  	[smem:$0x3F99] =	sst lr;
	_ =	strace $0xD0000000  }
0x3: {  	_ = 	snop  }
0x4: {  	_ = 	snop  }
0x5: {  	_ = 	snop  }
0x6: {  	_ = 	snop  }
0x7: {  	_ = 	snop  }
__scs_overlays_trampoline_lowered:
0x8: {  	[smem:$0x3FA8] =	sst s0  }
0x9: {  	[smem:$0x3FA9] =	sst s1  }
0xa: {  	[smem:$0x3FAA] =	sst s2  }
0xb: {  	[smem:$0x3FAB] =	sst s3  }
0xc: {  	[smem:$0x3FAC] =	sst s4  }
0xd: {  	[smem:$0x3FAD] =	sst s5  }
0xe: {  	[smem:$0x3FAE] =	sst s6  }
0xf: {  	[smem:$0x3FAF] =	sst s7  }
0x10: {  	[smem:$0x3FB0] =	sst s8  }
0x11: {  	[smem:$0x3FB1] =	sst s9;
	s0 =	simm.s32 @!p0 $0x0  }
0x12: {  	s1 =	sld [smem:$0x3F97];
	s0 =	simm.s32 @p0 $0x1  }
0x13: {  	[smem:$0x3FB2] =	sst s0;
	s0 =	simm.s32 @!p1 $0x0  }
0x14: {  	s2 =	sld [smem:$0x3F96];
	s0 =	simm.s32 @p1 $0x1  }
0x15: {  	[smem:$0x3FB3] =	sst s0;
	s0 =	simm.s32 @!p2 $0x0  }
0x16: {  	s3 =	sld [smem:$0x3FDB];
	s0 =	simm.s32 @p2 $0x1  }
0x17: {  	s4 =	simm.s32 $0x1BF5;
	[smem:$0x3FB5] =	sst s0  }
0x18: {  	s0 =	sld [smem:$0x3F98];
	_ =	swait.ge [sflag:s4], $0x0  }
0x19: {  	s7 =	sld [smem:$0x3F99]  }
0x1a: {  	s8 =	sadd.s32 $0xFFFFE003, lr  }
0x1b: {  	s9 =	sadd.s32 $0xFFFFFEF7, lr;
	s5 =	simm.s32 $0xFFFFFFFF;
	p2 =	slt.u32 s8, $0xFFFFF086  }
0x1c: {  	p1 =	slt.u32 s9, $0xF7A;
	s5 =	simm.s32 @!p2 $0x0  }
0x1d: {  	s5 =	simm.s32 @p1 $0x1;
	p0 =	seq.s32 s7, s2  }
0x1e: {  	s7 =	smul.u32 @!p0 $0xF7A, s2;
	p2 =	seq.s32 @!p0 s5, $0x0  }
0x1f: {  	s9 =	smul.u32 $0xF7A, s1;
	s8 =	simm.s32 @!p0 $0x1BF5;
	p2 =	por !p2, p0  }
0x20: {  	[sflag:s8] =	ssyncset.s32 @!p0 $0xFFFFF086;
	s6 =	sadd.s32 @!p0 s3, s7;
	s7 =	simm.s32 @!p0 $0x108  }
0x21: {  	s3 =	sadd.s32 s3, s9;
	s6 =	sadd.s32 @!p0 $0x88, s6;
	s7 =	simm.s32 @p2 $0x1082  }
0x22: {  	[simem:s7], [sflag:s8] =	dma.local @!p0 [hbm:s6], $0xF7A  }
0x23: {  	s9 =	sor.u32 $0xD0000000, s2;
	s6 =	simm.s32 $0x108;
	_ =	swait.ge @!p0 [sflag:s8], $0x0  }
0x24: {  	s3 =	sadd.s32 $0x88, s3;
	s6 =	simm.s32 @!p1 $0x1082;
	[sflag:s4] =	ssyncset.s32 $0xFFFFF086  }
0x25: {  	[simem:s6], [sflag:s4] =	dma.local [hbm:s3], $0xF7A  }
0x26: {  	[smem:$0x3F99] =	sst s1;
	(tag) =	ssettag s2;
	_ =	strace s9  }
0x27: {  	s1 =	sld [smem:$0x3FA9]  }
0x28: {  	s2 =	sld [smem:$0x3FAA]  }
0x29: {  	s4 =	sld [smem:$0x3FAC]  }
0x2a: {  	p0 =	seq.s32 s5, $0x0;
	s5 =	sld [smem:$0x3FAD]  }
0x2b: {  	s6 =	sld [smem:$0x3FAE]  }
0x2c: {  	s7 =	sld [smem:$0x3FAF]  }
0x2d: {  	s3 =	simm.s32 $0x108;
	s8 =	sld [smem:$0x3FB0]  }
0x2e: {  	s3 =	simm.s32 @!p0 $0x1082;
	s9 =	sld [smem:$0x3FB1]  }
0x2f: {  	lr =	sadd.s32 s0, s3;
	s0 =	sld [smem:$0x3FA8]  }
0x30: {  	s3 =	sld [smem:$0x3FAB]  }
0x31: {  	[smem:$0x3FB4] =	sst s10  }
0x32: {  	s10 =	sld [smem:$0x3FB2];
	_ =	sdelay $0x3  }
0x33: {  	p0 =	seq.s32 s10, $0x1;
	s10 =	sld [smem:$0x3FB4];
	_ =	sdelay $0x3  }
0x34: {  	[smem:$0x3FB4] =	sst s10  }
0x35: {  	s10 =	sld [smem:$0x3FB3];
	_ =	sdelay $0x3  }
0x36: {  	p1 =	seq.s32 s10, $0x1;
	s10 =	sld [smem:$0x3FB4];
	_ =	sdelay $0x3  }
0x37: {  	[smem:$0x3FB4] =	sst s10  }
0x38: {  	s10 =	sld [smem:$0x3FB5]  }
0x39: {  	_ = 	snop;
	(pc) =	sbr.ind lr, $3  }
0x3a: {  	_ = 	snop  }
0x3b: {  	_ = 	snop  }
0x3c: {  	p2 =	seq.s32 s10, $0x1;
	s10 =	sld [smem:$0x3FB4]  }
0x3d: {  	_ =	shalt  }
0x3e: {  	_ =	shalt  }
0x3f: {  	_ =	shalt  }
0x40: {  	_ =	shalt  }
0x41: {  	_ =	shalt  }
0x42: {  	_ =	shalt  }
0x43: {  	_ =	shalt  }
0x44: {  	_ =	shalt  }
0x45: {  	_ =	shalt  }
0x46: {  	_ =	shalt  }
0x47: {  	_ =	shalt  }
0x48: {  	_ =	shalt  }
0x49: {  	_ =	shalt  }
0x4a: {  	_ =	shalt  }
0x4b: {  	_ =	shalt  }
0x4c: {  	_ =	shalt  }
0x4d: {  	_ =	shalt  }
0x4e: {  	_ =	shalt  }
0x4f: {  	_ =	shalt  }
0x50: {  	_ =	shalt  }
0x51: {  	_ =	shalt  }
0x52: {  	_ =	shalt  }
0x53: {  	_ =	shalt  }
0x54: {  	_ =	shalt  }
0x55: {  	_ =	shalt  }
0x56: {  	_ =	shalt  }
0x57: {  	_ =	shalt  }
0x58: {  	_ =	shalt  }
0x59: {  	_ =	shalt  }
0x5a: {  	_ =	shalt  }
0x5b: {  	_ =	shalt  }
0x5c: {  	_ =	shalt  }
0x5d: {  	_ =	shalt  }
0x5e: {  	_ =	shalt  }
0x5f: {  	_ =	shalt  }
0x60: {  	_ =	shalt  }
0x61: {  	_ =	shalt  }
0x62: {  	_ =	shalt  }
0x63: {  	_ =	shalt  }
0x64: {  	_ =	shalt  }
0x65: {  	_ =	shalt  }
0x66: {  	_ =	shalt  }
0x67: {  	_ =	shalt  }
0x68: {  	_ =	shalt  }
0x69: {  	_ =	shalt  }
0x6a: {  	_ =	shalt  }
0x6b: {  	_ =	shalt  }
0x6c: {  	_ =	shalt  }
0x6d: {  	_ =	shalt  }
0x6e: {  	_ =	shalt  }
0x6f: {  	_ =	shalt  }
0x70: {  	_ =	shalt  }
0x71: {  	_ =	shalt  }
0x72: {  	_ =	shalt  }
0x73: {  	_ =	shalt  }
0x74: {  	_ =	shalt  }
0x75: {  	_ =	shalt  }
0x76: {  	_ =	shalt  }
0x77: {  	_ =	shalt  }
0x78: {  	_ =	shalt  }
0x79: {  	_ =	shalt  }
0x7a: {  	_ =	shalt  }
0x7b: {  	_ =	shalt  }
0x7c: {  	_ =	shalt  }
0x7d: {  	_ =	shalt  }
0x7e: {  	_ =	shalt  }
0x7f: {  	_ =	shalt  }
0x80: {  	_ =	shalt  }
0x81: {  	_ =	shalt  }
0x82: {  	_ =	shalt  }
0x83: {  	_ =	shalt  }
0x84: {  	_ =	shalt  }
0x85: {  	_ =	shalt  }
0x86: {  	_ =	shalt  }
0x87: {  	_ =	shalt  }
.Lfunc_end0:
.L_simem_size_0:
called_computation_lowered:
.L_overlay_start_0:
0x88: {  	s2 =	sld [smem:$0x3FD9]  }
0x89: {  	s3 =	sld [smem:$0x3FFE];
	_ =	sdelay $0x1  }
0x8a: {  	s1 =	srdreg.scid  }
0x8b: {  	s0 =	sand.u32 $0x1, s1  }
0x8c: {  	s17 =	sshll.u32 s0, $0xA;
	s2 =	sadd.s32 s3, s2  }
0x8d: {  	s2 =	sadd.s32 s2, s17  }
0x8e: {  	[smem:$0x3FC0] =	sst s2  }
0x8f: {  	_ = 	snop  }
0x90: {  	s18 =	sld [smem:$0x3FD0];
	(tm) =	ssettm $0x1  }
0x91: {  	s19 =	sld [smem:$0x3FFB];
	_ =	sdelay $0x3  }
0x92: {  	_ =	strace s19  }
0x93: {  	s2 =	sld [smem:$0x3FFC];
	_ =	sdelay $0x3  }
0x94: {  	_ =	strace s2  }
0x95: {  	s2 =	sld [smem:$0x3FFD];
	_ =	sdelay $0x3  }
0x96: {  	_ =	strace s2  }
0x97: {  	_ =	strace $0x8FFFFFFF  }
0x98: {  	s20 =	sld [smem:$0x3FDB];
	_ =	sdelay $0x1  }
0x99: {  	s4 =	simm.s32 $_scs_section_size  }
0x9a: {  	s5 =	simm.s32 $_size__tile_overlayer_lowered;
	s6 =	simm.s32 $_tile_overlayer_lowered  }
0x9b: {  	s7 =	simm.s32 $0x1BFF;
	s21 =	sshll.u32 s6, $0x1;
	s4 =	sadd.s32 s4, s20  }
0x9c: {  	s22 =	simm.s32 $0x0;
	s5 =	sshll.u32 s5, $0x1;
	s6 =	sadd.s32 s21, s4  }
0x9d: {  	[timem:s22], [sflag:s7] =	dma.local [hbm:s6], s5  }
0x9e: {  	_ =	swait.ge [sflag:s7], s5  }
0x9f: {  	s5 =	ssub.s32 $0x0, s5;
	[sflag:s7] =	ssyncset.done $0x0  }
0xa0: {  	[sflag:s7] =	ssyncadd.s32 s5;
	_ =	sdelay $0x1  }
0xa1: {  	s23 =	simm.s32 $0x1B8B  }
0xa2: {  	_ =	swait.ge [sflag:s23], $0x1  }
0xa3: {  	[sflag:s23] =	ssyncset.done $0x0  }
0xa4: {  	[sflag:s23] =	ssyncadd.s32 $0xFFFFFFFF  }
0xa5: {  	s5 =	sld [smem:$0x0]  }
0xa6: {  	s6 =	sand.u32 $0xFFFFFFFE, s1  }
0xa7: {  	p0 =	sne.s32 s1, s6  }
0xa8: {  	s6 =	sshll.u32 @p0 s6, $0xE  }
0xa9: {  	s6 =	sadd.s32 @p0 $0x11B8D, s6;
	s7 =	sshll.u32 @p0 s5, $0x11  }
0xaa: {  	s6 =	sor.u32 @p0 s7, s6  }
0xab: {  	[sflag:s6] =	ssyncadd.remote.s32 @p0 $0x1;
	_ =	sdelay $0x1  }
0xac: {  	s6 =	simm.s32 @p0 $0x1B8D  }
0xad: {  	_ =	swait.eq @p0 [sflag:s6], $0x1  }
0xae: {  	[sflag:s6] =	ssyncadd.s32 @p0 $0xFFFFFFFF  }
0xaf: {  	s7 =	sshll.u32 @!p0 s1, $0xE  }
0xb0: {  	s7 =	sor.u32 @!p0 $0x4000, s7;
	s6 =	simm.s32 @!p0 $0x1B8D  }
0xb1: {  	s5 =	sshll.u32 @!p0 s5, $0x11;
	s7 =	sadd.s32 @!p0 $0x11B8D, s7;
	_ =	swait.eq @!p0 [sflag:s6], $0x1  }
0xb2: {  	s5 =	sor.u32 @!p0 s5, s7;
	[sflag:s6] =	ssyncadd.s32 @!p0 $0xFFFFFFFF  }
0xb3: {  	s25 =	simm.s32 $0x1B8E;
	s24 =	sld [smem:$0x3FFE];
	[sflag:s5] =	ssyncadd.remote.s32 @!p0 $0x1  }
0xb4: {  	s26 =	simm.s32 $execute0_lowered;
	[smem:$0x3FD2] =	sst s25  }
0xb5: {  	s6 =	sshll.u32 s26, $0x1;
	_ =	strace $0x80000049;
	[dreg:$0x1] =	wrdreg $0xFFFFFFFF  }
0xb6: {  	s28 =	simm.s32 $_size_execute0_lowered;
	s4 =	sadd.s32 s4, s6;
	[dreg:$0x0] =	wrdreg $0x0  }
0xb7: {  	s6 =	sshll.u32 s28, $0x1;
	[dreg:$0x2] =	wrdreg s4  }
0xb8: {  	[dreg:$0x3] =	wrdreg s6  }
0xb9: {  	[dreg:$0x4] =	wrdreg $0xC0  }
0xba: {  	_ =	task [dreg:s22], $0x5FFFF  }
0xbb: {  	[dreg:$0x1] =	wrdreg $0xFFFFFFFF  }
0xbc: {  	[dreg:$0x0] =	wrdreg $0x60  }
0xbd: {  	[dreg:$0x2] =	wrdreg s24  }
0xbe: {  	[dreg:$0x3] =	wrdreg s18  }
0xbf: {  	[dreg:$0x4] =	wrdreg $0x9  }
0xc0: {  	_ =	task.clear_ibuf [dreg:s22], $0x5FFFF;
	_ =	strace $0x90000049  }
0xc1: {  	s29 =	simm.s32 $0x9;
	_ =	strace $0x8000004B  }
0xc2: {  	_ =	swait.ge [sflag:s29], $0x1  }
0xc3: {  	[sflag:s29] =	ssyncadd.s32 $0xFFFFFFFF  }
0xc4: {  	_ =	strace $0x9000004B  }
0xc5: {  	_ =	sfence  }
0xc6: {  	s30 =	sld [smem:$0x0];
	_ =	sdelay $0x2  }
0xc7: {  	s31 =	sshll.u32 s1, $0xD;
	s1 =	sshrl.u32 s1, $0x2  }
0xc8: {  	s4 =	sand.u32 $0x4000, s31;
	s1 =	sadd.s32 s1, s30  }
0xc9: {  	s0 =	sor.u32 s4, s0;
	s1 =	sshll.u32 s1, $0x11  }
0xca: {  	s0 =	sor.u32 s1, s0  }
0xcb: {  	s0 =	sadd.s32 $0x8F2B, s0  }
0xcc: {  	[sflag:s0] =	ssyncadd.remote.s32 $0x1  }
0xcd: {  	_ =	sfence.sel $0xFFFF  }
0xce: {  	[dreg:$0x0] =	wrdreg $0xFFFFFFFF;
	(pc) =	sbr.abs _section_cstart, $3  }
0xcf: {  	[dreg:$0x1] =	wrdreg $0xFFFFFFFF  }
0xd0: {  	_ =	task.clear_ibuf [dreg:s22], $0x2FFFF;
	_ =	strace $0x9FFFFFFF  }
0xd1: {  	(tm) =	ssettm $0x7FFFFFFF  }
tec
execute0_lowered:
.L_overlay_start_1:
0x0: {  	(tag) =	ssettag $0x1  }
0x1: {  	s4 =	rddreg [dreg:$0x0]  }
0x2: {  	s5 =	rddreg [dreg:$0x1]  }
0x3: {  	s0 =	rddreg [dreg:$0x2]  }
0x4: {  	s3 =	srdreg.scid;
	s1 =	stileid.u32  }
0x5: {  	s2 =	simm.s32 $0x0;
	s10 =	simm.s32 $0x7600;
	s11 =	simm.s32 $0x1  }
0x6: {  	s12 =	simm.s32 $0x2;
	s13 =	simm.s32 $0x0;
	s3 =	sand.u32 $0x1, s3  }
0x7: {  	s6 =	sshll.u32 s1, $0x1;
	[smem:$0x7FF] =	sst s2;
	s7 =	ssub.s32 $0x2, s3  }
0x8: {  	s6 =	sor.u32 s3, s6;
	_ =	strace $0x8000004A;
	s3 =	sadd.s32 $0x1600, s4  }
0x9: {  	s4 =	sadd.s32 $0xCD800, s4;
	s8 =	sshrl.u32 s7, $0x1;
	s9 =	smul.u32 $0x600, s6  }
0xa: {  	v0 =	vlaneseq.u32;
	s6 =	smul.u32 $0x30000, s6;
	s7 =	ssub.s32 s7, s8;
	s8 =	simm.s32 $0x3  }
0xb: {  	v0 =	vmul.u32 $0x10, v0;
	s5 =	sadd.s32 s5, s9;
	s7 =	smax.u32 s7, $0x1;
	s9 =	simm.s32 $0x3600  }
.LBB2_1:
0xc: {  	[tilespmem:s2], [sflag:$0x3] =	stream.linear.gather [hbm4b:s3+s2], $0x600, $0x38;
	[tilespmem:$0xB600] =	vst v63  }
0xd: {  	_ =	swait.ge [sflag:s8], $0x600  }
0xe: {  	[sflag:s8] =	ssyncset.done $0x0  }
0xf: {  	s14 =	simm.s32 $0x600;
	[sflag:s8] =	ssyncadd.s32 $0xFFFFFA00  }
0x10: {  	[tilespmem:s14], [sflag:$0x3] =	stream.linear.gather [hbm4b:s5+s2], $0x3000, $0x38;
	[tilespmem:$0xB600] =	vst v63  }
0x11: {  	_ =	swait.ge [sflag:s8], $0x3000  }
0x12: {  	[sflag:s8] =	ssyncset.done $0x0  }
0x13: {  	s15 =	simm.s32 $0xA00;
	s16 =	simm.s32 $0x0;
	[sflag:s8] =	ssyncadd.s32 $0xFFFFD000  }
.LBB2_2:
0x14: {  	p0 =	seq.s32 s16, $0x0  }
0x15: {  	s17 =	simm.s32 @!p0 $0x1  }
0x16: {  	_ =	swait.ge @!p0 [sflag:s17], $0x4000  }
0x17: {  	[sflag:s17] =	ssyncset.done @!p0 $0x0  }
0x18: {  	[sflag:s17] =	ssyncadd.s32 @!p0 $0xFFFFC000  }
0x19: {  	v1 =	vld [tilespmem:s14+$0x0];
	_ =	sdelay $0x4  }
0x1a: {  	v1 =	vshll.u32 v1, $0x4;
	_ =	sdelay $0x1  }
0x1b: {  	s31 =	simm.s32 $0x0  }
0x1c: {  	v2 =	vmov s31  }
0x1d: {  	v2 =	vshll.u32 v2, $0x4  }
0x1e: {  	v2 =	vor.u32 v0, v2;
	v3 =	vld.idx.msk [tilespmem:v1+s2+$0x0], $0xffff  }
0x1f: {  	v4 =	vor.u32 $0x1, v1;
	_ =	sdelay $0x3  }
0x20: {  	[tilespmem:v2+s9+$0x0] =	vst.idx.msk $0xffff, v3  }
0x21: {  	v38 =	vor.u32 $0x1, v2;
	v3 =	vld.idx.msk [tilespmem:v4+s2+$0x0], $0xffff  }
0x22: {  	v5 =	vor.u32 $0x2, v1;
	_ =	sdelay $0x3  }
0x23: {  	[tilespmem:v38+s9+$0x0] =	vst.idx.msk $0xffff, v3  }
0x24: {  	v39 =	vor.u32 $0x2, v2;
	v3 =	vld.idx.msk [tilespmem:v5+s2+$0x0], $0xffff  }
0x25: {  	v40 =	vor.u32 $0x3, v1;
	_ =	sdelay $0x3  }
0x26: {  	[tilespmem:v39+s9+$0x0] =	vst.idx.msk $0xffff, v3  }
0x27: {  	v41 =	vor.u32 $0x3, v2;
	v3 =	vld.idx.msk [tilespmem:v40+s2+$0x0], $0xffff  }
0x28: {  	v42 =	vor.u32 $0x4, v1;
	_ =	sdelay $0x3  }
0x29: {  	[tilespmem:v41+s9+$0x0] =	vst.idx.msk $0xffff, v3  }
0x2a: {  	v43 =	vor.u32 $0x4, v2;
	v3 =	vld.idx.msk [tilespmem:v42+s2+$0x0], $0xffff  }
0x2b: {  	v44 =	vor.u32 $0x5, v1;
	_ =	sdelay $0x3  }
0x2c: {  	[tilespmem:v43+s9+$0x0] =	vst.idx.msk $0xffff, v3  }
0x2d: {  	v45 =	vor.u32 $0x5, v2;
	v3 =	vld.idx.msk [tilespmem:v44+s2+$0x0], $0xffff  }
0x2e: {  	v46 =	vor.u32 $0x6, v1;
	_ =	sdelay $0x3  }
0x2f: {  	[tilespmem:v45+s9+$0x0] =	vst.idx.msk $0xffff, v3  }
0x30: {  	v47 =	vor.u32 $0x6, v2;
	v3 =	vld.idx.msk [tilespmem:v46+s2+$0x0], $0xffff  }
0x31: {  	v48 =	vor.u32 $0x7, v1;
	_ =	sdelay $0x3  }
0x32: {  	[tilespmem:v47+s9+$0x0] =	vst.idx.msk $0xffff, v3  }
0x33: {  	v49 =	vor.u32 $0x7, v2;
	v3 =	vld.idx.msk [tilespmem:v48+s2+$0x0], $0xffff  }
0x34: {  	v50 =	vor.u32 $0x8, v1;
	_ =	sdelay $0x3  }
0x35: {  	[tilespmem:v49+s9+$0x0] =	vst.idx.msk $0xffff, v3  }
0x36: {  	v51 =	vor.u32 $0x8, v2;
	v3 =	vld.idx.msk [tilespmem:v50+s2+$0x0], $0xffff  }
0x37: {  	v52 =	vor.u32 $0x9, v1;
	_ =	sdelay $0x3  }
0x38: {  	[tilespmem:v51+s9+$0x0] =	vst.idx.msk $0xffff, v3  }
0x39: {  	v53 =	vor.u32 $0x9, v2;
	v3 =	vld.idx.msk [tilespmem:v52+s2+$0x0], $0xffff  }
0x3a: {  	v54 =	vor.u32 $0xA, v1;
	_ =	sdelay $0x3  }
0x3b: {  	[tilespmem:v53+s9+$0x0] =	vst.idx.msk $0xffff, v3  }
0x3c: {  	v55 =	vor.u32 $0xA, v2;
	v3 =	vld.idx.msk [tilespmem:v54+s2+$0x0], $0xffff  }
0x3d: {  	v56 =	vor.u32 $0xB, v1;
	_ =	sdelay $0x3  }
0x3e: {  	[tilespmem:v55+s9+$0x0] =	vst.idx.msk $0xffff, v3  }
0x3f: {  	v57 =	vor.u32 $0xB, v2;
	v3 =	vld.idx.msk [tilespmem:v56+s2+$0x0], $0xffff  }
0x40: {  	v58 =	vor.u32 $0xC, v1;
	_ =	sdelay $0x3  }
0x41: {  	[tilespmem:v57+s9+$0x0] =	vst.idx.msk $0xffff, v3  }
0x42: {  	v59 =	vor.u32 $0xC, v2;
	v3 =	vld.idx.msk [tilespmem:v58+s2+$0x0], $0xffff  }
0x43: {  	v60 =	vor.u32 $0xD, v1;
	_ =	sdelay $0x3  }
0x44: {  	[tilespmem:v59+s9+$0x0] =	vst.idx.msk $0xffff, v3  }
0x45: {  	v61 =	vor.u32 $0xD, v2;
	v3 =	vld.idx.msk [tilespmem:v60+s2+$0x0], $0xffff  }
0x46: {  	v62 =	vor.u32 $0xE, v1;
	_ =	sdelay $0x3  }
0x47: {  	[tilespmem:v61+s9+$0x0] =	vst.idx.msk $0xffff, v3  }
0x48: {  	v63 =	vor.u32 $0xE, v2;
	v3 =	vld.idx.msk [tilespmem:v62+s2+$0x0], $0xffff  }
0x49: {  	v1 =	vor.u32 $0xF, v1;
	_ =	sdelay $0x3  }
0x4a: {  	[tilespmem:v63+s9+$0x0] =	vst.idx.msk $0xffff, v3  }
0x4b: {  	s18 =	simm.s32 $0x10;
	s19 =	smov.u32 s14;
	s17 =	sshll.u32 s16, $0x1;
	v2 =	vor.u32 $0xF, v2;
	v1 =	vld.idx.msk [tilespmem:v1+s2+$0x0], $0xffff  }
.LBB2_3:
0x4c: {  	_ =	sdelay $0x2  }
0x4d: {  	p1 =	sne.s32 s18, $0x3F0  }
0x4e: {  	s19 =	sadd.s32 $0x10, s19;
	s20 =	smov.u32 s18;
	s18 =	sadd.s32 $0x10, s18;
	[tilespmem:v2+s9+$0x0] =	vst.idx.msk $0xffff, v1  }
0x4f: {  	v1 =	vld [tilespmem:s19+$0x0];
	_ =	sdelay $0x4  }
0x50: {  	v1 =	vshll.u32 v1, $0x4;
	_ =	sdelay $0x3  }
0x51: {  	v2 =	vmov s20  }
0x52: {  	v2 =	vshll.u32 v2, $0x4;
	v3 =	vld.idx.msk [tilespmem:v1+s2+$0x0], $0xffff  }
0x53: {  	v2 =	vor.u32 v0, v2  }
0x54: {  	v4 =	vor.u32 $0x1, v1;
	_ =	sdelay $0x3  }
0x55: {  	[tilespmem:v2+s9+$0x0] =	vst.idx.msk $0xffff, v3  }
0x56: {  	v3 =	vld.idx.msk [tilespmem:v4+s2+$0x0], $0xffff  }
0x57: {  	v4 =	vor.u32 $0x1, v2  }
0x58: {  	v5 =	vor.u32 $0x2, v1;
	_ =	sdelay $0x3  }
0x59: {  	[tilespmem:v4+s9+$0x0] =	vst.idx.msk $0xffff, v3  }
0x5a: {  	v3 =	vld.idx.msk [tilespmem:v5+s2+$0x0], $0xffff  }
0x5b: {  	v4 =	vor.u32 $0x2, v2  }
0x5c: {  	v5 =	vor.u32 $0x3, v1;
	_ =	sdelay $0x3  }
0x5d: {  	[tilespmem:v4+s9+$0x0] =	vst.idx.msk $0xffff, v3  }
0x5e: {  	v3 =	vld.idx.msk [tilespmem:v5+s2+$0x0], $0xffff  }
0x5f: {  	v4 =	vor.u32 $0x3, v2  }
0x60: {  	v5 =	vor.u32 $0x4, v1;
	_ =	sdelay $0x3  }
0x61: {  	[tilespmem:v4+s9+$0x0] =	vst.idx.msk $0xffff, v3  }
0x62: {  	v3 =	vld.idx.msk [tilespmem:v5+s2+$0x0], $0xffff  }
0x63: {  	v4 =	vor.u32 $0x4, v2  }
0x64: {  	v5 =	vor.u32 $0x5, v1;
	_ =	sdelay $0x3  }
0x65: {  	[tilespmem:v4+s9+$0x0] =	vst.idx.msk $0xffff, v3  }
0x66: {  	v3 =	vld.idx.msk [tilespmem:v5+s2+$0x0], $0xffff  }
0x67: {  	v4 =	vor.u32 $0x5, v2  }
0x68: {  	v5 =	vor.u32 $0x6, v1;
	_ =	sdelay $0x3  }
0x69: {  	[tilespmem:v4+s9+$0x0] =	vst.idx.msk $0xffff, v3  }
0x6a: {  	v3 =	vld.idx.msk [tilespmem:v5+s2+$0x0], $0xffff  }
0x6b: {  	v4 =	vor.u32 $0x6, v2  }
0x6c: {  	v5 =	vor.u32 $0x7, v1;
	_ =	sdelay $0x3  }
0x6d: {  	[tilespmem:v4+s9+$0x0] =	vst.idx.msk $0xffff, v3  }
0x6e: {  	v3 =	vld.idx.msk [tilespmem:v5+s2+$0x0], $0xffff  }
0x6f: {  	v4 =	vor.u32 $0x7, v2  }
0x70: {  	v5 =	vor.u32 $0x8, v1;
	_ =	sdelay $0x3  }
0x71: {  	[tilespmem:v4+s9+$0x0] =	vst.idx.msk $0xffff, v3  }
0x72: {  	v3 =	vld.idx.msk [tilespmem:v5+s2+$0x0], $0xffff  }
0x73: {  	v4 =	vor.u32 $0x8, v2  }
0x74: {  	v5 =	vor.u32 $0x9, v1;
	_ =	sdelay $0x3  }
0x75: {  	[tilespmem:v4+s9+$0x0] =	vst.idx.msk $0xffff, v3  }
0x76: {  	v3 =	vld.idx.msk [tilespmem:v5+s2+$0x0], $0xffff  }
0x77: {  	v4 =	vor.u32 $0x9, v2  }
0x78: {  	v5 =	vor.u32 $0xA, v1;
	_ =	sdelay $0x3  }
0x79: {  	[tilespmem:v4+s9+$0x0] =	vst.idx.msk $0xffff, v3  }
0x7a: {  	v3 =	vld.idx.msk [tilespmem:v5+s2+$0x0], $0xffff  }
0x7b: {  	v4 =	vor.u32 $0xA, v2  }
0x7c: {  	v5 =	vor.u32 $0xB, v1;
	_ =	sdelay $0x3  }
0x7d: {  	[tilespmem:v4+s9+$0x0] =	vst.idx.msk $0xffff, v3  }
0x7e: {  	v3 =	vld.idx.msk [tilespmem:v5+s2+$0x0], $0xffff  }
0x7f: {  	v4 =	vor.u32 $0xB, v2  }
0x80: {  	v5 =	vor.u32 $0xC, v1;
	_ =	sdelay $0x3  }
0x81: {  	[tilespmem:v4+s9+$0x0] =	vst.idx.msk $0xffff, v3  }
0x82: {  	v3 =	vld.idx.msk [tilespmem:v5+s2+$0x0], $0xffff  }
0x83: {  	v4 =	vor.u32 $0xC, v2  }
0x84: {  	v5 =	vor.u32 $0xD, v1;
	_ =	sdelay $0x3  }
0x85: {  	[tilespmem:v4+s9+$0x0] =	vst.idx.msk $0xffff, v3  }
0x86: {  	v3 =	vld.idx.msk [tilespmem:v5+s2+$0x0], $0xffff  }
0x87: {  	v4 =	vor.u32 $0xD, v2  }
0x88: {  	v5 =	vor.u32 $0xE, v1;
	_ =	sdelay $0x3  }
0x89: {  	[tilespmem:v4+s9+$0x0] =	vst.idx.msk $0xffff, v3  }
0x8a: {  	v3 =	vld.idx.msk [tilespmem:v5+s2+$0x0], $0xffff  }
0x8b: {  	v4 =	vor.u32 $0xE, v2  }
0x8c: {  	v1 =	vor.u32 $0xF, v1;
	_ =	sdelay $0x1  }
.Ltmp0:
0x8d: {  	(pc) =	sbr.rel @p1 .LBB2_3-.Ltmp0, $4  }
0x8e: {  	_ = 	snop  }
0x8f: {  	[tilespmem:v4+s9+$0x0] =	vst.idx.msk $0xffff, v3  }
0x90: {  	v1 =	vld.idx.msk [tilespmem:v1+s2+$0x0], $0xffff  }
0x91: {  	v2 =	vor.u32 $0xF, v2  }
0x92: {  	_ = 	snop  }
0x93: {  	s18 =	sshll.u32 s16, $0xF  }
0x94: {  	s18 =	sadd.s32 s6, s18  }
0x95: {  	s18 =	sshrl.u32 s18, $0x3  }
0x96: {  	[tilespmem:v2+s9+$0x0] =	vst.idx.msk $0xffff, v1;
	s18 =	sadd.s32 s4, s18  }
0x97: {  	[hbm4b:s18+s2] =	stream.linear.scatter [tilespmem:s9], [sflag:$0x1], $0x4000, $0x38;
	[tilespmem:$0xB600] =	vst v63  }
0x98: {  	s18 =	simm.s32 @!p0 $0x2  }
0x99: {  	_ =	swait.ge @!p0 [sflag:s18], $0x4000  }
0x9a: {  	[sflag:s18] =	ssyncset.done @!p0 $0x0  }
0x9b: {  	[sflag:s18] =	ssyncadd.s32 @!p0 $0xFFFFC000  }
0x9c: {  	v1 =	vld [tilespmem:s15+$0x0];
	_ =	sdelay $0x4  }
0x9d: {  	v1 =	vshll.u32 v1, $0x4;
	_ =	sdelay $0x1  }
0x9e: {  	s31 =	simm.s32 $0x0  }
0x9f: {  	v2 =	vmov s31  }
0xa0: {  	v2 =	vshll.u32 v2, $0x4  }
0xa1: {  	v2 =	vor.u32 v0, v2;
	v3 =	vld.idx.msk [tilespmem:v1+s2+$0x0], $0xffff  }
0xa2: {  	v4 =	vor.u32 $0x1, v1;
	_ =	sdelay $0x3  }
0xa3: {  	[tilespmem:v2+s10+$0x0] =	vst.idx.msk $0xffff, v3  }
0xa4: {  	v38 =	vor.u32 $0x1, v2;
	v3 =	vld.idx.msk [tilespmem:v4+s2+$0x0], $0xffff  }
0xa5: {  	v5 =	vor.u32 $0x2, v1;
	_ =	sdelay $0x3  }
0xa6: {  	[tilespmem:v38+s10+$0x0] =	vst.idx.msk $0xffff, v3  }
0xa7: {  	v39 =	vor.u32 $0x2, v2;
	v3 =	vld.idx.msk [tilespmem:v5+s2+$0x0], $0xffff  }
0xa8: {  	v40 =	vor.u32 $0x3, v1;
	_ =	sdelay $0x3  }
0xa9: {  	[tilespmem:v39+s10+$0x0] =	vst.idx.msk $0xffff, v3  }
0xaa: {  	v41 =	vor.u32 $0x3, v2;
	v3 =	vld.idx.msk [tilespmem:v40+s2+$0x0], $0xffff  }
0xab: {  	v42 =	vor.u32 $0x4, v1;
	_ =	sdelay $0x3  }
0xac: {  	[tilespmem:v41+s10+$0x0] =	vst.idx.msk $0xffff, v3  }
0xad: {  	v43 =	vor.u32 $0x4, v2;
	v3 =	vld.idx.msk [tilespmem:v42+s2+$0x0], $0xffff  }
0xae: {  	v44 =	vor.u32 $0x5, v1;
	_ =	sdelay $0x3  }
0xaf: {  	[tilespmem:v43+s10+$0x0] =	vst.idx.msk $0xffff, v3  }
0xb0: {  	v45 =	vor.u32 $0x5, v2;
	v3 =	vld.idx.msk [tilespmem:v44+s2+$0x0], $0xffff  }
0xb1: {  	v46 =	vor.u32 $0x6, v1;
	_ =	sdelay $0x3  }
0xb2: {  	[tilespmem:v45+s10+$0x0] =	vst.idx.msk $0xffff, v3  }
0xb3: {  	v47 =	vor.u32 $0x6, v2;
	v3 =	vld.idx.msk [tilespmem:v46+s2+$0x0], $0xffff  }
0xb4: {  	v48 =	vor.u32 $0x7, v1;
	_ =	sdelay $0x3  }
0xb5: {  	[tilespmem:v47+s10+$0x0] =	vst.idx.msk $0xffff, v3  }
0xb6: {  	v49 =	vor.u32 $0x7, v2;
	v3 =	vld.idx.msk [tilespmem:v48+s2+$0x0], $0xffff  }
0xb7: {  	v50 =	vor.u32 $0x8, v1;
	_ =	sdelay $0x3  }
0xb8: {  	[tilespmem:v49+s10+$0x0] =	vst.idx.msk $0xffff, v3  }
0xb9: {  	v51 =	vor.u32 $0x8, v2;
	v3 =	vld.idx.msk [tilespmem:v50+s2+$0x0], $0xffff  }
0xba: {  	v52 =	vor.u32 $0x9, v1;
	_ =	sdelay $0x3  }
0xbb: {  	[tilespmem:v51+s10+$0x0] =	vst.idx.msk $0xffff, v3  }
0xbc: {  	v53 =	vor.u32 $0x9, v2;
	v3 =	vld.idx.msk [tilespmem:v52+s2+$0x0], $0xffff  }
0xbd: {  	v54 =	vor.u32 $0xA, v1;
	_ =	sdelay $0x3  }
0xbe: {  	[tilespmem:v53+s10+$0x0] =	vst.idx.msk $0xffff, v3  }
0xbf: {  	v55 =	vor.u32 $0xA, v2;
	v3 =	vld.idx.msk [tilespmem:v54+s2+$0x0], $0xffff  }
0xc0: {  	v56 =	vor.u32 $0xB, v1;
	_ =	sdelay $0x3  }
0xc1: {  	[tilespmem:v55+s10+$0x0] =	vst.idx.msk $0xffff, v3  }
0xc2: {  	v57 =	vor.u32 $0xB, v2;
	v3 =	vld.idx.msk [tilespmem:v56+s2+$0x0], $0xffff  }
0xc3: {  	v58 =	vor.u32 $0xC, v1;
	_ =	sdelay $0x3  }
0xc4: {  	[tilespmem:v57+s10+$0x0] =	vst.idx.msk $0xffff, v3  }
0xc5: {  	v59 =	vor.u32 $0xC, v2;
	v3 =	vld.idx.msk [tilespmem:v58+s2+$0x0], $0xffff  }
0xc6: {  	v60 =	vor.u32 $0xD, v1;
	_ =	sdelay $0x3  }
0xc7: {  	[tilespmem:v59+s10+$0x0] =	vst.idx.msk $0xffff, v3  }
0xc8: {  	v61 =	vor.u32 $0xD, v2;
	v3 =	vld.idx.msk [tilespmem:v60+s2+$0x0], $0xffff  }
0xc9: {  	v62 =	vor.u32 $0xE, v1;
	_ =	sdelay $0x3  }
0xca: {  	[tilespmem:v61+s10+$0x0] =	vst.idx.msk $0xffff, v3  }
0xcb: {  	v63 =	vor.u32 $0xE, v2;
	v3 =	vld.idx.msk [tilespmem:v62+s2+$0x0], $0xffff  }
0xcc: {  	v1 =	vor.u32 $0xF, v1;
	_ =	sdelay $0x3  }
0xcd: {  	[tilespmem:v63+s10+$0x0] =	vst.idx.msk $0xffff, v3  }
0xce: {  	s17 =	sor.u32 $0x1, s17;
	s19 =	smov.u32 s15;
	s18 =	simm.s32 $0x10;
	v2 =	vor.u32 $0xF, v2;
	v1 =	vld.idx.msk [tilespmem:v1+s2+$0x0], $0xffff  }
.LBB2_5:
0xcf: {  	_ =	sdelay $0x2  }
0xd0: {  	p0 =	sne.s32 s18, $0x3F0  }
0xd1: {  	s19 =	sadd.s32 $0x10, s19;
	s20 =	smov.u32 s18;
	s18 =	sadd.s32 $0x10, s18;
	[tilespmem:v2+s10+$0x0] =	vst.idx.msk $0xffff, v1  }
0xd2: {  	v1 =	vld [tilespmem:s19+$0x0];
	_ =	sdelay $0x4  }
0xd3: {  	v1 =	vshll.u32 v1, $0x4;
	_ =	sdelay $0x3  }
0xd4: {  	v2 =	vmov s20  }
0xd5: {  	v2 =	vshll.u32 v2, $0x4;
	v3 =	vld.idx.msk [tilespmem:v1+s2+$0x0], $0xffff  }
0xd6: {  	v2 =	vor.u32 v0, v2  }
0xd7: {  	v4 =	vor.u32 $0x1, v1;
	_ =	sdelay $0x3  }
0xd8: {  	[tilespmem:v2+s10+$0x0] =	vst.idx.msk $0xffff, v3  }
0xd9: {  	v3 =	vld.idx.msk [tilespmem:v4+s2+$0x0], $0xffff  }
0xda: {  	v4 =	vor.u32 $0x1, v2  }
0xdb: {  	v5 =	vor.u32 $0x2, v1;
	_ =	sdelay $0x3  }
0xdc: {  	[tilespmem:v4+s10+$0x0] =	vst.idx.msk $0xffff, v3  }
0xdd: {  	v3 =	vld.idx.msk [tilespmem:v5+s2+$0x0], $0xffff  }
0xde: {  	v4 =	vor.u32 $0x2, v2  }
0xdf: {  	v5 =	vor.u32 $0x3, v1;
	_ =	sdelay $0x3  }
0xe0: {  	[tilespmem:v4+s10+$0x0] =	vst.idx.msk $0xffff, v3  }
0xe1: {  	v3 =	vld.idx.msk [tilespmem:v5+s2+$0x0], $0xffff  }
0xe2: {  	v4 =	vor.u32 $0x3, v2  }
0xe3: {  	v5 =	vor.u32 $0x4, v1;
	_ =	sdelay $0x3  }
0xe4: {  	[tilespmem:v4+s10+$0x0] =	vst.idx.msk $0xffff, v3  }
0xe5: {  	v3 =	vld.idx.msk [tilespmem:v5+s2+$0x0], $0xffff  }
0xe6: {  	v4 =	vor.u32 $0x4, v2  }
0xe7: {  	v5 =	vor.u32 $0x5, v1;
	_ =	sdelay $0x3  }
0xe8: {  	[tilespmem:v4+s10+$0x0] =	vst.idx.msk $0xffff, v3  }
0xe9: {  	v3 =	vld.idx.msk [tilespmem:v5+s2+$0x0], $0xffff  }
0xea: {  	v4 =	vor.u32 $0x5, v2  }
0xeb: {  	v5 =	vor.u32 $0x6, v1;
	_ =	sdelay $0x3  }
0xec: {  	[tilespmem:v4+s10+$0x0] =	vst.idx.msk $0xffff, v3  }
0xed: {  	v3 =	vld.idx.msk [tilespmem:v5+s2+$0x0], $0xffff  }
0xee: {  	v4 =	vor.u32 $0x6, v2  }
0xef: {  	v5 =	vor.u32 $0x7, v1;
	_ =	sdelay $0x3  }
0xf0: {  	[tilespmem:v4+s10+$0x0] =	vst.idx.msk $0xffff, v3  }
0xf1: {  	v3 =	vld.idx.msk [tilespmem:v5+s2+$0x0], $0xffff  }
0xf2: {  	v4 =	vor.u32 $0x7, v2  }
0xf3: {  	v5 =	vor.u32 $0x8, v1;
	_ =	sdelay $0x3  }
0xf4: {  	[tilespmem:v4+s10+$0x0] =	vst.idx.msk $0xffff, v3  }
0xf5: {  	v3 =	vld.idx.msk [tilespmem:v5+s2+$0x0], $0xffff  }
0xf6: {  	v4 =	vor.u32 $0x8, v2  }
0xf7: {  	v5 =	vor.u32 $0x9, v1;
	_ =	sdelay $0x3  }
0xf8: {  	[tilespmem:v4+s10+$0x0] =	vst.idx.msk $0xffff, v3  }
0xf9: {  	v3 =	vld.idx.msk [tilespmem:v5+s2+$0x0], $0xffff  }
0xfa: {  	v4 =	vor.u32 $0x9, v2  }
0xfb: {  	v5 =	vor.u32 $0xA, v1;
	_ =	sdelay $0x3  }
0xfc: {  	[tilespmem:v4+s10+$0x0] =	vst.idx.msk $0xffff, v3  }
0xfd: {  	v3 =	vld.idx.msk [tilespmem:v5+s2+$0x0], $0xffff  }
0xfe: {  	v4 =	vor.u32 $0xA, v2  }
0xff: {  	v5 =	vor.u32 $0xB, v1;
	_ =	sdelay $0x3  }
0x100: {  	[tilespmem:v4+s10+$0x0] =	vst.idx.msk $0xffff, v3  }
0x101: {  	v3 =	vld.idx.msk [tilespmem:v5+s2+$0x0], $0xffff  }
0x102: {  	v4 =	vor.u32 $0xB, v2  }
0x103: {  	v5 =	vor.u32 $0xC, v1;
	_ =	sdelay $0x3  }
0x104: {  	[tilespmem:v4+s10+$0x0] =	vst.idx.msk $0xffff, v3  }
0x105: {  	v3 =	vld.idx.msk [tilespmem:v5+s2+$0x0], $0xffff  }
0x106: {  	v4 =	vor.u32 $0xC, v2  }
0x107: {  	v5 =	vor.u32 $0xD, v1;
	_ =	sdelay $0x3  }
0x108: {  	[tilespmem:v4+s10+$0x0] =	vst.idx.msk $0xffff, v3  }
0x109: {  	v3 =	vld.idx.msk [tilespmem:v5+s2+$0x0], $0xffff  }
0x10a: {  	v4 =	vor.u32 $0xD, v2  }
0x10b: {  	v5 =	vor.u32 $0xE, v1;
	_ =	sdelay $0x3  }
0x10c: {  	[tilespmem:v4+s10+$0x0] =	vst.idx.msk $0xffff, v3  }
0x10d: {  	v3 =	vld.idx.msk [tilespmem:v5+s2+$0x0], $0xffff  }
0x10e: {  	v4 =	vor.u32 $0xE, v2  }
0x10f: {  	v1 =	vor.u32 $0xF, v1;
	_ =	sdelay $0x1  }
.Ltmp1:
0x110: {  	(pc) =	sbr.rel @p0 .LBB2_5-.Ltmp1, $4  }
0x111: {  	_ = 	snop  }
0x112: {  	[tilespmem:v4+s10+$0x0] =	vst.idx.msk $0xffff, v3  }
0x113: {  	v1 =	vld.idx.msk [tilespmem:v1+s2+$0x0], $0xffff  }
0x114: {  	v2 =	vor.u32 $0xF, v2  }
0x115: {  	s16 =	sadd.s32 $0x1, s16  }
0x116: {  	p0 =	sne.s32 s16, $0x6  }
.Ltmp2:
0x117: {  	s17 =	sshll.u32 s17, $0xE;
	(pc) =	sbr.rel @p0 .LBB2_2-.Ltmp2, $4  }
0x118: {  	s17 =	sadd.s32 s6, s17  }
0x119: {  	s17 =	sshrl.u32 s17, $0x3  }
0x11a: {  	s14 =	sadd.s32 $0x800, s14;
	s15 =	sadd.s32 $0x800, s15;
	[tilespmem:v2+s10+$0x0] =	vst.idx.msk $0xffff, v1;
	s17 =	sadd.s32 s4, s17  }
0x11b: {  	[hbm4b:s17+s2] =	stream.linear.scatter [tilespmem:s10], [sflag:$0x2], $0x4000, $0x38;
	[tilespmem:$0xB600] =	vst v63  }
0x11c: {  	s13 =	sadd.s32 $0x1, s13  }
0x11d: {  	_ =	swait.ge [sflag:s11], $0x4000;
	p0 =	sne.s32 s13, s7  }
.Ltmp3:
0x11e: {  	[sflag:s11] =	ssyncset.done $0x0;
	(pc) =	sbr.rel @p0 .LBB2_1-.Ltmp3, $4  }
0x11f: {  	[sflag:s11] =	ssyncadd.s32 $0xFFFFC000  }
0x120: {  	_ =	swait.ge [sflag:s12], $0x4000  }
0x121: {  	[sflag:s12] =	ssyncset.done $0x0  }
0x122: {  	[sflag:s12] =	ssyncadd.s32 $0xFFFFC000  }
0x123: {  	_ =	sfence.sel $0x180000  }
0x124: {  	[bflag:$0x0] =	sbarrier.arrive $0xFFFF  }
0x125: {  	p0 =	sne.s32 s1, $0x0;
	_ =	strace $0x9000004A  }
0x126: {  	s0 =	sadd.s32 @!p0 $0x100000, s0;
	[bflag:$0x2] =	sbarrier.arrive $0xFFFF  }
0x127: {  	[sflag:s0] =	ssyncadd.tile.s32 @!p0 $0x1;
	_ =	shalt  }
.Lfunc_end2:
_tile_overlayer_lowered:
.L_overlay_start_2:
0x128: {  	(tag) =	ssettag $0x2  }
0x129: {  	s0 =	rddreg [dreg:$0x0];
	s2 =	stileid.u32  }
0x12a: {  	s1 =	rddreg [dreg:$0x1];
	p0 =	sne.s32 s2, $0x0  }
0x12b: {  	s3 =	rddreg [dreg:$0x2];
	[bflag:$0x3] =	sbarrier.arrive $0xFFFF;
	s2 =	simm.s32 @!p0 $0x1C03  }
0x12c: {  	[timem:s3], [sflag:s2] =	dma.local @!p0 [hbm:s0], s1  }
0x12d: {  	s0 =	simm.s32 @!p0 $0x3  }
0x12e: {  	_ =	swait.ge @!p0 [sflag:s0], s1  }
0x12f: {  	s1 =	ssub.s32 @!p0 $0x0, s1;
	[sflag:s0] =	ssyncset.done @!p0 $0x0  }
0x130: {  	[sflag:s0] =	ssyncadd.s32 @!p0 s1  }
0x131: {  	[bflag:$0x3] =	sbarrier.arrive $0xFFFF  }
0x132: {  	_ =	shalt  }

// kernel: kernel.9.cloned.1.call-start
scs
__scs_entry_jumppad:
0x0: {  	(pc) =	sbr.rel $0x88, $3  }
0x1: {  	(tag) =	ssettag $0x0;
	lr =	simm.s32 $0x1  }
0x2: {  	[smem:$0x3F99] =	sst lr;
	_ =	strace $0xD0000000  }
0x3: {  	_ = 	snop  }
0x4: {  	_ = 	snop  }
0x5: {  	_ = 	snop  }
0x6: {  	_ = 	snop  }
0x7: {  	_ = 	snop  }
__scs_overlays_trampoline_lowered:
0x8: {  	[smem:$0x3FA8] =	sst s0  }
0x9: {  	[smem:$0x3FA9] =	sst s1  }
0xa: {  	[smem:$0x3FAA] =	sst s2  }
0xb: {  	[smem:$0x3FAB] =	sst s3  }
0xc: {  	[smem:$0x3FAC] =	sst s4  }
0xd: {  	[smem:$0x3FAD] =	sst s5  }
0xe: {  	[smem:$0x3FAE] =	sst s6  }
0xf: {  	[smem:$0x3FAF] =	sst s7  }
0x10: {  	[smem:$0x3FB0] =	sst s8  }
0x11: {  	[smem:$0x3FB1] =	sst s9;
	s0 =	simm.s32 @!p0 $0x0  }
0x12: {  	s1 =	sld [smem:$0x3F97];
	s0 =	simm.s32 @p0 $0x1  }
0x13: {  	[smem:$0x3FB2] =	sst s0;
	s0 =	simm.s32 @!p1 $0x0  }
0x14: {  	s2 =	sld [smem:$0x3F96];
	s0 =	simm.s32 @p1 $0x1  }
0x15: {  	[smem:$0x3FB3] =	sst s0;
	s0 =	simm.s32 @!p2 $0x0  }
0x16: {  	s3 =	sld [smem:$0x3FDB];
	s0 =	simm.s32 @p2 $0x1  }
0x17: {  	s4 =	simm.s32 $0x1BF5;
	[smem:$0x3FB5] =	sst s0  }
0x18: {  	s0 =	sld [smem:$0x3F98];
	_ =	swait.ge [sflag:s4], $0x0  }
0x19: {  	s7 =	sld [smem:$0x3F99]  }
0x1a: {  	s8 =	sadd.s32 $0xFFFFE003, lr  }
0x1b: {  	s9 =	sadd.s32 $0xFFFFFEF7, lr;
	s5 =	simm.s32 $0xFFFFFFFF;
	p2 =	slt.u32 s8, $0xFFFFF086  }
0x1c: {  	p1 =	slt.u32 s9, $0xF7A;
	s5 =	simm.s32 @!p2 $0x0  }
0x1d: {  	s5 =	simm.s32 @p1 $0x1;
	p0 =	seq.s32 s7, s2  }
0x1e: {  	s7 =	smul.u32 @!p0 $0xF7A, s2;
	p2 =	seq.s32 @!p0 s5, $0x0  }
0x1f: {  	s9 =	smul.u32 $0xF7A, s1;
	s8 =	simm.s32 @!p0 $0x1BF5;
	p2 =	por !p2, p0  }
0x20: {  	[sflag:s8] =	ssyncset.s32 @!p0 $0xFFFFF086;
	s6 =	sadd.s32 @!p0 s3, s7;
	s7 =	simm.s32 @!p0 $0x108  }
0x21: {  	s3 =	sadd.s32 s3, s9;
	s6 =	sadd.s32 @!p0 $0x88, s6;
	s7 =	simm.s32 @p2 $0x1082  }
0x22: {  	[simem:s7], [sflag:s8] =	dma.local @!p0 [hbm:s6], $0xF7A  }
0x23: {  	s9 =	sor.u32 $0xD0000000, s2;
	s6 =	simm.s32 $0x108;
	_ =	swait.ge @!p0 [sflag:s8], $0x0  }
0x24: {  	s3 =	sadd.s32 $0x88, s3;
	s6 =	simm.s32 @!p1 $0x1082;
	[sflag:s4] =	ssyncset.s32 $0xFFFFF086  }
0x25: {  	[simem:s6], [sflag:s4] =	dma.local [hbm:s3], $0xF7A  }
0x26: {  	[smem:$0x3F99] =	sst s1;
	(tag) =	ssettag s2;
	_ =	strace s9  }
0x27: {  	s1 =	sld [smem:$0x3FA9]  }
0x28: {  	s2 =	sld [smem:$0x3FAA]  }
0x29: {  	s4 =	sld [smem:$0x3FAC]  }
0x2a: {  	p0 =	seq.s32 s5, $0x0;
	s5 =	sld [smem:$0x3FAD]  }
0x2b: {  	s6 =	sld [smem:$0x3FAE]  }
0x2c: {  	s7 =	sld [smem:$0x3FAF]  }
0x2d: {  	s3 =	simm.s32 $0x108;
	s8 =	sld [smem:$0x3FB0]  }
0x2e: {  	s3 =	simm.s32 @!p0 $0x1082;
	s9 =	sld [smem:$0x3FB1]  }
0x2f: {  	lr =	sadd.s32 s0, s3;
	s0 =	sld [smem:$0x3FA8]  }
0x30: {  	s3 =	sld [smem:$0x3FAB]  }
0x31: {  	[smem:$0x3FB4] =	sst s10  }
0x32: {  	s10 =	sld [smem:$0x3FB2];
	_ =	sdelay $0x3  }
0x33: {  	p0 =	seq.s32 s10, $0x1;
	s10 =	sld [smem:$0x3FB4];
	_ =	sdelay $0x3  }
0x34: {  	[smem:$0x3FB4] =	sst s10  }
0x35: {  	s10 =	sld [smem:$0x3FB3];
	_ =	sdelay $0x3  }
0x36: {  	p1 =	seq.s32 s10, $0x1;
	s10 =	sld [smem:$0x3FB4];
	_ =	sdelay $0x3  }
0x37: {  	[smem:$0x3FB4] =	sst s10  }
0x38: {  	s10 =	sld [smem:$0x3FB5]  }
0x39: {  	_ = 	snop;
	(pc) =	sbr.ind lr, $3  }
0x3a: {  	_ = 	snop  }
0x3b: {  	_ = 	snop  }
0x3c: {  	p2 =	seq.s32 s10, $0x1;
	s10 =	sld [smem:$0x3FB4]  }
0x3d: {  	_ =	shalt  }
0x3e: {  	_ =	shalt  }
0x3f: {  	_ =	shalt  }
0x40: {  	_ =	shalt  }
0x41: {  	_ =	shalt  }
0x42: {  	_ =	shalt  }
0x43: {  	_ =	shalt  }
0x44: {  	_ =	shalt  }
0x45: {  	_ =	shalt  }
0x46: {  	_ =	shalt  }
0x47: {  	_ =	shalt  }
0x48: {  	_ =	shalt  }
0x49: {  	_ =	shalt  }
0x4a: {  	_ =	shalt  }
0x4b: {  	_ =	shalt  }
0x4c: {  	_ =	shalt  }
0x4d: {  	_ =	shalt  }
0x4e: {  	_ =	shalt  }
0x4f: {  	_ =	shalt  }
0x50: {  	_ =	shalt  }
0x51: {  	_ =	shalt  }
0x52: {  	_ =	shalt  }
0x53: {  	_ =	shalt  }
0x54: {  	_ =	shalt  }
0x55: {  	_ =	shalt  }
0x56: {  	_ =	shalt  }
0x57: {  	_ =	shalt  }
0x58: {  	_ =	shalt  }
0x59: {  	_ =	shalt  }
0x5a: {  	_ =	shalt  }
0x5b: {  	_ =	shalt  }
0x5c: {  	_ =	shalt  }
0x5d: {  	_ =	shalt  }
0x5e: {  	_ =	shalt  }
0x5f: {  	_ =	shalt  }
0x60: {  	_ =	shalt  }
0x61: {  	_ =	shalt  }
0x62: {  	_ =	shalt  }
0x63: {  	_ =	shalt  }
0x64: {  	_ =	shalt  }
0x65: {  	_ =	shalt  }
0x66: {  	_ =	shalt  }
0x67: {  	_ =	shalt  }
0x68: {  	_ =	shalt  }
0x69: {  	_ =	shalt  }
0x6a: {  	_ =	shalt  }
0x6b: {  	_ =	shalt  }
0x6c: {  	_ =	shalt  }
0x6d: {  	_ =	shalt  }
0x6e: {  	_ =	shalt  }
0x6f: {  	_ =	shalt  }
0x70: {  	_ =	shalt  }
0x71: {  	_ =	shalt  }
0x72: {  	_ =	shalt  }
0x73: {  	_ =	shalt  }
0x74: {  	_ =	shalt  }
0x75: {  	_ =	shalt  }
0x76: {  	_ =	shalt  }
0x77: {  	_ =	shalt  }
0x78: {  	_ =	shalt  }
0x79: {  	_ =	shalt  }
0x7a: {  	_ =	shalt  }
0x7b: {  	_ =	shalt  }
0x7c: {  	_ =	shalt  }
0x7d: {  	_ =	shalt  }
0x7e: {  	_ =	shalt  }
0x7f: {  	_ =	shalt  }
0x80: {  	_ =	shalt  }
0x81: {  	_ =	shalt  }
0x82: {  	_ =	shalt  }
0x83: {  	_ =	shalt  }
0x84: {  	_ =	shalt  }
0x85: {  	_ =	shalt  }
0x86: {  	_ =	shalt  }
0x87: {  	_ =	shalt  }
.Lfunc_end0:
.L_simem_size_0:
called_computation.1_lowered:
.L_overlay_start_0:
0x88: {  	s2 =	sld [smem:$0x3FD9]  }
0x89: {  	s3 =	sld [smem:$0x3FFE];
	_ =	sdelay $0x1  }
0x8a: {  	s1 =	srdreg.scid  }
0x8b: {  	s0 =	sand.u32 $0x1, s1  }
0x8c: {  	s16 =	sshll.u32 s0, $0xA;
	s2 =	sadd.s32 s3, s2  }
0x8d: {  	s2 =	sadd.s32 s2, s16  }
0x8e: {  	[smem:$0x3FC0] =	sst s2  }
0x8f: {  	_ = 	snop  }
0x90: {  	(tm) =	ssettm $0x1  }
0x91: {  	s17 =	sld [smem:$0x3FFB];
	_ =	sdelay $0x3  }
0x92: {  	_ =	strace s17  }
0x93: {  	s2 =	sld [smem:$0x3FFC];
	_ =	sdelay $0x3  }
0x94: {  	_ =	strace s2  }
0x95: {  	s2 =	sld [smem:$0x3FFD];
	_ =	sdelay $0x3  }
0x96: {  	_ =	strace s2  }
0x97: {  	_ =	strace $0x8FFFFFFF  }
0x98: {  	s18 =	sld [smem:$0x3FDB];
	_ =	sdelay $0x1  }
0x99: {  	s19 =	simm.s32 $_scs_section_size  }
0x9a: {  	s4 =	simm.s32 $_size__tile_overlayer_lowered;
	s5 =	simm.s32 $_tile_overlayer_lowered  }
0x9b: {  	s22 =	simm.s32 $0x1BFF;
	s21 =	sshll.u32 s5, $0x1;
	s2 =	sadd.s32 s19, s18  }
0x9c: {  	s6 =	simm.s32 $0x0;
	s20 =	sshll.u32 s4, $0x1;
	s4 =	sadd.s32 s21, s2  }
0x9d: {  	[timem:s6], [sflag:s22] =	dma.local [hbm:s4], s20  }
0x9e: {  	_ =	swait.ge [sflag:s22], s20  }
0x9f: {  	s3 =	ssub.s32 $0x0, s20;
	[sflag:s22] =	ssyncset.done $0x0  }
0xa0: {  	[sflag:s22] =	ssyncadd.s32 s3;
	_ =	sdelay $0x1  }
0xa1: {  	s23 =	simm.s32 $0x1B8B  }
0xa2: {  	_ =	swait.ge [sflag:s23], $0x1  }
0xa3: {  	[sflag:s23] =	ssyncset.done $0x0  }
0xa4: {  	s25 =	simm.s32 $0x1B8E;
	s24 =	sld [smem:$0x3FFE];
	[sflag:s23] =	ssyncadd.s32 $0xFFFFFFFF  }
0xa5: {  	s26 =	simm.s32 $execute0_lowered;
	[smem:$0x3FD2] =	sst s25  }
0xa6: {  	s4 =	sshll.u32 s26, $0x1;
	_ =	strace $0x80000046;
	[dreg:$0x1] =	wrdreg $0xFFFFFFFF  }
0xa7: {  	s28 =	simm.s32 $_size_execute0_lowered;
	s2 =	sadd.s32 s2, s4;
	[dreg:$0x0] =	wrdreg $0x0  }
0xa8: {  	s4 =	sshll.u32 s28, $0x1;
	[dreg:$0x2] =	wrdreg s2  }
0xa9: {  	[dreg:$0x3] =	wrdreg s4  }
0xaa: {  	[dreg:$0x4] =	wrdreg $0xC0  }
0xab: {  	_ =	task [dreg:s6], $0x5FFFF  }
0xac: {  	[dreg:$0x1] =	wrdreg $0xFFFFFFFF  }
0xad: {  	[dreg:$0x0] =	wrdreg $0x60  }
0xae: {  	[dreg:$0x2] =	wrdreg s24  }
0xaf: {  	[dreg:$0x3] =	wrdreg $0xA  }
0xb0: {  	_ =	task.clear_ibuf [dreg:s6], $0x4FFFF;
	_ =	strace $0x90000046  }
0xb1: {  	s29 =	simm.s32 $0xA;
	_ =	strace $0x80000048  }
0xb2: {  	_ =	swait.ge [sflag:s29], $0x1  }
0xb3: {  	[sflag:s29] =	ssyncadd.s32 $0xFFFFFFFF  }
0xb4: {  	_ =	strace $0x90000048  }
0xb5: {  	_ =	sfence  }
0xb6: {  	s30 =	sld [smem:$0x0];
	_ =	sdelay $0x2  }
0xb7: {  	s31 =	sshll.u32 s1, $0xD;
	s1 =	sshrl.u32 s1, $0x2  }
0xb8: {  	s3 =	sand.u32 $0x4000, s31;
	s1 =	sadd.s32 s1, s30  }
0xb9: {  	s0 =	sor.u32 s3, s0;
	s1 =	sshll.u32 s1, $0x11  }
0xba: {  	s0 =	sor.u32 s1, s0  }
0xbb: {  	s0 =	sadd.s32 $0x8F2B, s0  }
0xbc: {  	[sflag:s0] =	ssyncadd.remote.s32 $0x1  }
0xbd: {  	_ =	sfence.sel $0xFFFF  }
0xbe: {  	[dreg:$0x0] =	wrdreg $0xFFFFFFFF;
	(pc) =	sbr.abs _section_cstart, $3  }
0xbf: {  	[dreg:$0x1] =	wrdreg $0xFFFFFFFF  }
0xc0: {  	_ =	task.clear_ibuf [dreg:s6], $0x2FFFF;
	_ =	strace $0x9FFFFFFF  }
0xc1: {  	(tm) =	ssettm $0x7FFFFFFF  }
tec
execute0_lowered:
.L_overlay_start_1:
0x0: {  	(tag) =	ssettag $0x1  }
0x1: {  	s1 =	srdreg.scid;
	s0 =	stileid.u32  }
0x2: {  	s4 =	rddreg [dreg:$0x0];
	s2 =	simm.s32 $0x0;
	s9 =	simm.s32 $0x3600  }
0x3: {  	s10 =	simm.s32 $0x7600;
	s11 =	simm.s32 $0x1;
	s12 =	simm.s32 $0x2  }
0x4: {  	s3 =	sand.u32 $0x1, s1;
	s5 =	sshll.u32 s0, $0x1;
	s1 =	rddreg [dreg:$0x1]  }
0x5: {  	s13 =	simm.s32 $0x0;
	[smem:$0x7FF] =	sst s2;
	s6 =	sor.u32 s3, s5  }
0x6: {  	s7 =	ssub.s32 $0x2, s3;
	_ =	strace $0x80000047;
	s5 =	smul.u32 $0x600, s6  }
0x7: {  	s3 =	sadd.s32 $0x1600, s4;
	s8 =	sshrl.u32 s7, $0x1;
	s6 =	smul.u32 $0x30000, s6  }
0x8: {  	v0 =	vlaneseq.u32;
	s7 =	ssub.s32 s7, s8;
	s8 =	simm.s32 $0x3;
	s5 =	sadd.s32 s5, s4  }
0x9: {  	v0 =	vmul.u32 $0x10, v0;
	s4 =	sadd.s32 $0xD800, s4;
	s7 =	smax.u32 s7, $0x1;
	s5 =	sadd.s32 $0x1800, s5  }
.LBB2_1:
0xa: {  	[tilespmem:s2], [sflag:$0x3] =	stream.linear.gather [hbm4b:s3+s2], $0x600, $0x38;
	[tilespmem:$0xB600] =	vst v63  }
0xb: {  	_ =	swait.ge [sflag:s8], $0x600  }
0xc: {  	[sflag:s8] =	ssyncset.done $0x0  }
0xd: {  	s14 =	simm.s32 $0x600;
	[sflag:s8] =	ssyncadd.s32 $0xFFFFFA00  }
0xe: {  	[tilespmem:s14], [sflag:$0x3] =	stream.linear.gather [hbm4b:s5+s2], $0x3000, $0x38;
	[tilespmem:$0xB600] =	vst v63  }
0xf: {  	_ =	swait.ge [sflag:s8], $0x3000  }
0x10: {  	[sflag:s8] =	ssyncset.done $0x0  }
0x11: {  	s15 =	simm.s32 $0xA00;
	s16 =	simm.s32 $0x0;
	[sflag:s8] =	ssyncadd.s32 $0xFFFFD000  }
.LBB2_2:
0x12: {  	p0 =	seq.s32 s16, $0x0  }
0x13: {  	s17 =	simm.s32 @!p0 $0x1  }
0x14: {  	_ =	swait.ge @!p0 [sflag:s17], $0x4000  }
0x15: {  	[sflag:s17] =	ssyncset.done @!p0 $0x0  }
0x16: {  	[sflag:s17] =	ssyncadd.s32 @!p0 $0xFFFFC000  }
0x17: {  	v1 =	vld [tilespmem:s14+$0x0];
	_ =	sdelay $0x4  }
0x18: {  	v1 =	vshll.u32 v1, $0x4;
	_ =	sdelay $0x1  }
0x19: {  	s31 =	simm.s32 $0x0  }
0x1a: {  	v2 =	vmov s31  }
0x1b: {  	v2 =	vshll.u32 v2, $0x4  }
0x1c: {  	v2 =	vor.u32 v0, v2;
	v3 =	vld.idx.msk [tilespmem:v1+s2+$0x0], $0xffff  }
0x1d: {  	v4 =	vor.u32 $0x1, v1;
	_ =	sdelay $0x3  }
0x1e: {  	[tilespmem:v2+s9+$0x0] =	vst.idx.msk $0xffff, v3  }
0x1f: {  	v38 =	vor.u32 $0x1, v2;
	v3 =	vld.idx.msk [tilespmem:v4+s2+$0x0], $0xffff  }
0x20: {  	v5 =	vor.u32 $0x2, v1;
	_ =	sdelay $0x3  }
0x21: {  	[tilespmem:v38+s9+$0x0] =	vst.idx.msk $0xffff, v3  }
0x22: {  	v39 =	vor.u32 $0x2, v2;
	v3 =	vld.idx.msk [tilespmem:v5+s2+$0x0], $0xffff  }
0x23: {  	v40 =	vor.u32 $0x3, v1;
	_ =	sdelay $0x3  }
0x24: {  	[tilespmem:v39+s9+$0x0] =	vst.idx.msk $0xffff, v3  }
0x25: {  	v41 =	vor.u32 $0x3, v2;
	v3 =	vld.idx.msk [tilespmem:v40+s2+$0x0], $0xffff  }
0x26: {  	v42 =	vor.u32 $0x4, v1;
	_ =	sdelay $0x3  }
0x27: {  	[tilespmem:v41+s9+$0x0] =	vst.idx.msk $0xffff, v3  }
0x28: {  	v43 =	vor.u32 $0x4, v2;
	v3 =	vld.idx.msk [tilespmem:v42+s2+$0x0], $0xffff  }
0x29: {  	v44 =	vor.u32 $0x5, v1;
	_ =	sdelay $0x3  }
0x2a: {  	[tilespmem:v43+s9+$0x0] =	vst.idx.msk $0xffff, v3  }
0x2b: {  	v45 =	vor.u32 $0x5, v2;
	v3 =	vld.idx.msk [tilespmem:v44+s2+$0x0], $0xffff  }
0x2c: {  	v46 =	vor.u32 $0x6, v1;
	_ =	sdelay $0x3  }
0x2d: {  	[tilespmem:v45+s9+$0x0] =	vst.idx.msk $0xffff, v3  }
0x2e: {  	v47 =	vor.u32 $0x6, v2;
	v3 =	vld.idx.msk [tilespmem:v46+s2+$0x0], $0xffff  }
0x2f: {  	v48 =	vor.u32 $0x7, v1;
	_ =	sdelay $0x3  }
0x30: {  	[tilespmem:v47+s9+$0x0] =	vst.idx.msk $0xffff, v3  }
0x31: {  	v49 =	vor.u32 $0x7, v2;
	v3 =	vld.idx.msk [tilespmem:v48+s2+$0x0], $0xffff  }
0x32: {  	v50 =	vor.u32 $0x8, v1;
	_ =	sdelay $0x3  }
0x33: {  	[tilespmem:v49+s9+$0x0] =	vst.idx.msk $0xffff, v3  }
0x34: {  	v51 =	vor.u32 $0x8, v2;
	v3 =	vld.idx.msk [tilespmem:v50+s2+$0x0], $0xffff  }
0x35: {  	v52 =	vor.u32 $0x9, v1;
	_ =	sdelay $0x3  }
0x36: {  	[tilespmem:v51+s9+$0x0] =	vst.idx.msk $0xffff, v3  }
0x37: {  	v53 =	vor.u32 $0x9, v2;
	v3 =	vld.idx.msk [tilespmem:v52+s2+$0x0], $0xffff  }
0x38: {  	v54 =	vor.u32 $0xA, v1;
	_ =	sdelay $0x3  }
0x39: {  	[tilespmem:v53+s9+$0x0] =	vst.idx.msk $0xffff, v3  }
0x3a: {  	v55 =	vor.u32 $0xA, v2;
	v3 =	vld.idx.msk [tilespmem:v54+s2+$0x0], $0xffff  }
0x3b: {  	v56 =	vor.u32 $0xB, v1;
	_ =	sdelay $0x3  }
0x3c: {  	[tilespmem:v55+s9+$0x0] =	vst.idx.msk $0xffff, v3  }
0x3d: {  	v57 =	vor.u32 $0xB, v2;
	v3 =	vld.idx.msk [tilespmem:v56+s2+$0x0], $0xffff  }
0x3e: {  	v58 =	vor.u32 $0xC, v1;
	_ =	sdelay $0x3  }
0x3f: {  	[tilespmem:v57+s9+$0x0] =	vst.idx.msk $0xffff, v3  }
0x40: {  	v59 =	vor.u32 $0xC, v2;
	v3 =	vld.idx.msk [tilespmem:v58+s2+$0x0], $0xffff  }
0x41: {  	v60 =	vor.u32 $0xD, v1;
	_ =	sdelay $0x3  }
0x42: {  	[tilespmem:v59+s9+$0x0] =	vst.idx.msk $0xffff, v3  }
0x43: {  	v61 =	vor.u32 $0xD, v2;
	v3 =	vld.idx.msk [tilespmem:v60+s2+$0x0], $0xffff  }
0x44: {  	v62 =	vor.u32 $0xE, v1;
	_ =	sdelay $0x3  }
0x45: {  	[tilespmem:v61+s9+$0x0] =	vst.idx.msk $0xffff, v3  }
0x46: {  	v63 =	vor.u32 $0xE, v2;
	v3 =	vld.idx.msk [tilespmem:v62+s2+$0x0], $0xffff  }
0x47: {  	v1 =	vor.u32 $0xF, v1;
	_ =	sdelay $0x3  }
0x48: {  	[tilespmem:v63+s9+$0x0] =	vst.idx.msk $0xffff, v3  }
0x49: {  	s18 =	simm.s32 $0x10;
	s19 =	smov.u32 s14;
	s17 =	sshll.u32 s16, $0x1;
	v2 =	vor.u32 $0xF, v2;
	v1 =	vld.idx.msk [tilespmem:v1+s2+$0x0], $0xffff  }
.LBB2_3:
0x4a: {  	_ =	sdelay $0x2  }
0x4b: {  	p1 =	sne.s32 s18, $0x3F0  }
0x4c: {  	s19 =	sadd.s32 $0x10, s19;
	s20 =	smov.u32 s18;
	s18 =	sadd.s32 $0x10, s18;
	[tilespmem:v2+s9+$0x0] =	vst.idx.msk $0xffff, v1  }
0x4d: {  	v1 =	vld [tilespmem:s19+$0x0];
	_ =	sdelay $0x4  }
0x4e: {  	v1 =	vshll.u32 v1, $0x4;
	_ =	sdelay $0x3  }
0x4f: {  	v2 =	vmov s20  }
0x50: {  	v2 =	vshll.u32 v2, $0x4;
	v3 =	vld.idx.msk [tilespmem:v1+s2+$0x0], $0xffff  }
0x51: {  	v2 =	vor.u32 v0, v2  }
0x52: {  	v4 =	vor.u32 $0x1, v1;
	_ =	sdelay $0x3  }
0x53: {  	[tilespmem:v2+s9+$0x0] =	vst.idx.msk $0xffff, v3  }
0x54: {  	v3 =	vld.idx.msk [tilespmem:v4+s2+$0x0], $0xffff  }
0x55: {  	v4 =	vor.u32 $0x1, v2  }
0x56: {  	v5 =	vor.u32 $0x2, v1;
	_ =	sdelay $0x3  }
0x57: {  	[tilespmem:v4+s9+$0x0] =	vst.idx.msk $0xffff, v3  }
0x58: {  	v3 =	vld.idx.msk [tilespmem:v5+s2+$0x0], $0xffff  }
0x59: {  	v4 =	vor.u32 $0x2, v2  }
0x5a: {  	v5 =	vor.u32 $0x3, v1;
	_ =	sdelay $0x3  }
0x5b: {  	[tilespmem:v4+s9+$0x0] =	vst.idx.msk $0xffff, v3  }
0x5c: {  	v3 =	vld.idx.msk [tilespmem:v5+s2+$0x0], $0xffff  }
0x5d: {  	v4 =	vor.u32 $0x3, v2  }
0x5e: {  	v5 =	vor.u32 $0x4, v1;
	_ =	sdelay $0x3  }
0x5f: {  	[tilespmem:v4+s9+$0x0] =	vst.idx.msk $0xffff, v3  }
0x60: {  	v3 =	vld.idx.msk [tilespmem:v5+s2+$0x0], $0xffff  }
0x61: {  	v4 =	vor.u32 $0x4, v2  }
0x62: {  	v5 =	vor.u32 $0x5, v1;
	_ =	sdelay $0x3  }
0x63: {  	[tilespmem:v4+s9+$0x0] =	vst.idx.msk $0xffff, v3  }
0x64: {  	v3 =	vld.idx.msk [tilespmem:v5+s2+$0x0], $0xffff  }
0x65: {  	v4 =	vor.u32 $0x5, v2  }
0x66: {  	v5 =	vor.u32 $0x6, v1;
	_ =	sdelay $0x3  }
0x67: {  	[tilespmem:v4+s9+$0x0] =	vst.idx.msk $0xffff, v3  }
0x68: {  	v3 =	vld.idx.msk [tilespmem:v5+s2+$0x0], $0xffff  }
0x69: {  	v4 =	vor.u32 $0x6, v2  }
0x6a: {  	v5 =	vor.u32 $0x7, v1;
	_ =	sdelay $0x3  }
0x6b: {  	[tilespmem:v4+s9+$0x0] =	vst.idx.msk $0xffff, v3  }
0x6c: {  	v3 =	vld.idx.msk [tilespmem:v5+s2+$0x0], $0xffff  }
0x6d: {  	v4 =	vor.u32 $0x7, v2  }
0x6e: {  	v5 =	vor.u32 $0x8, v1;
	_ =	sdelay $0x3  }
0x6f: {  	[tilespmem:v4+s9+$0x0] =	vst.idx.msk $0xffff, v3  }
0x70: {  	v3 =	vld.idx.msk [tilespmem:v5+s2+$0x0], $0xffff  }
0x71: {  	v4 =	vor.u32 $0x8, v2  }
0x72: {  	v5 =	vor.u32 $0x9, v1;
	_ =	sdelay $0x3  }
0x73: {  	[tilespmem:v4+s9+$0x0] =	vst.idx.msk $0xffff, v3  }
0x74: {  	v3 =	vld.idx.msk [tilespmem:v5+s2+$0x0], $0xffff  }
0x75: {  	v4 =	vor.u32 $0x9, v2  }
0x76: {  	v5 =	vor.u32 $0xA, v1;
	_ =	sdelay $0x3  }
0x77: {  	[tilespmem:v4+s9+$0x0] =	vst.idx.msk $0xffff, v3  }
0x78: {  	v3 =	vld.idx.msk [tilespmem:v5+s2+$0x0], $0xffff  }
0x79: {  	v4 =	vor.u32 $0xA, v2  }
0x7a: {  	v5 =	vor.u32 $0xB, v1;
	_ =	sdelay $0x3  }
0x7b: {  	[tilespmem:v4+s9+$0x0] =	vst.idx.msk $0xffff, v3  }
0x7c: {  	v3 =	vld.idx.msk [tilespmem:v5+s2+$0x0], $0xffff  }
0x7d: {  	v4 =	vor.u32 $0xB, v2  }
0x7e: {  	v5 =	vor.u32 $0xC, v1;
	_ =	sdelay $0x3  }
0x7f: {  	[tilespmem:v4+s9+$0x0] =	vst.idx.msk $0xffff, v3  }
0x80: {  	v3 =	vld.idx.msk [tilespmem:v5+s2+$0x0], $0xffff  }
0x81: {  	v4 =	vor.u32 $0xC, v2  }
0x82: {  	v5 =	vor.u32 $0xD, v1;
	_ =	sdelay $0x3  }
0x83: {  	[tilespmem:v4+s9+$0x0] =	vst.idx.msk $0xffff, v3  }
0x84: {  	v3 =	vld.idx.msk [tilespmem:v5+s2+$0x0], $0xffff  }
0x85: {  	v4 =	vor.u32 $0xD, v2  }
0x86: {  	v5 =	vor.u32 $0xE, v1;
	_ =	sdelay $0x3  }
0x87: {  	[tilespmem:v4+s9+$0x0] =	vst.idx.msk $0xffff, v3  }
0x88: {  	v3 =	vld.idx.msk [tilespmem:v5+s2+$0x0], $0xffff  }
0x89: {  	v4 =	vor.u32 $0xE, v2  }
0x8a: {  	v1 =	vor.u32 $0xF, v1;
	_ =	sdelay $0x1  }
.Ltmp0:
0x8b: {  	(pc) =	sbr.rel @p1 .LBB2_3-.Ltmp0, $4  }
0x8c: {  	_ = 	snop  }
0x8d: {  	[tilespmem:v4+s9+$0x0] =	vst.idx.msk $0xffff, v3  }
0x8e: {  	v1 =	vld.idx.msk [tilespmem:v1+s2+$0x0], $0xffff  }
0x8f: {  	v2 =	vor.u32 $0xF, v2  }
0x90: {  	_ = 	snop  }
0x91: {  	s18 =	sshll.u32 s16, $0xF  }
0x92: {  	s18 =	sadd.s32 s6, s18  }
0x93: {  	s18 =	sshrl.u32 s18, $0x3  }
0x94: {  	[tilespmem:v2+s9+$0x0] =	vst.idx.msk $0xffff, v1;
	s18 =	sadd.s32 s4, s18  }
0x95: {  	[hbm4b:s18+s2] =	stream.linear.scatter [tilespmem:s9], [sflag:$0x1], $0x4000, $0x38;
	[tilespmem:$0xB600] =	vst v63  }
0x96: {  	s18 =	simm.s32 @!p0 $0x2  }
0x97: {  	_ =	swait.ge @!p0 [sflag:s18], $0x4000  }
0x98: {  	[sflag:s18] =	ssyncset.done @!p0 $0x0  }
0x99: {  	[sflag:s18] =	ssyncadd.s32 @!p0 $0xFFFFC000  }
0x9a: {  	v1 =	vld [tilespmem:s15+$0x0];
	_ =	sdelay $0x4  }
0x9b: {  	v1 =	vshll.u32 v1, $0x4;
	_ =	sdelay $0x1  }
0x9c: {  	s31 =	simm.s32 $0x0  }
0x9d: {  	v2 =	vmov s31  }
0x9e: {  	v2 =	vshll.u32 v2, $0x4  }
0x9f: {  	v2 =	vor.u32 v0, v2;
	v3 =	vld.idx.msk [tilespmem:v1+s2+$0x0], $0xffff  }
0xa0: {  	v4 =	vor.u32 $0x1, v1;
	_ =	sdelay $0x3  }
0xa1: {  	[tilespmem:v2+s10+$0x0] =	vst.idx.msk $0xffff, v3  }
0xa2: {  	v38 =	vor.u32 $0x1, v2;
	v3 =	vld.idx.msk [tilespmem:v4+s2+$0x0], $0xffff  }
0xa3: {  	v5 =	vor.u32 $0x2, v1;
	_ =	sdelay $0x3  }
0xa4: {  	[tilespmem:v38+s10+$0x0] =	vst.idx.msk $0xffff, v3  }
0xa5: {  	v39 =	vor.u32 $0x2, v2;
	v3 =	vld.idx.msk [tilespmem:v5+s2+$0x0], $0xffff  }
0xa6: {  	v40 =	vor.u32 $0x3, v1;
	_ =	sdelay $0x3  }
0xa7: {  	[tilespmem:v39+s10+$0x0] =	vst.idx.msk $0xffff, v3  }
0xa8: {  	v41 =	vor.u32 $0x3, v2;
	v3 =	vld.idx.msk [tilespmem:v40+s2+$0x0], $0xffff  }
0xa9: {  	v42 =	vor.u32 $0x4, v1;
	_ =	sdelay $0x3  }
0xaa: {  	[tilespmem:v41+s10+$0x0] =	vst.idx.msk $0xffff, v3  }
0xab: {  	v43 =	vor.u32 $0x4, v2;
	v3 =	vld.idx.msk [tilespmem:v42+s2+$0x0], $0xffff  }
0xac: {  	v44 =	vor.u32 $0x5, v1;
	_ =	sdelay $0x3  }
0xad: {  	[tilespmem:v43+s10+$0x0] =	vst.idx.msk $0xffff, v3  }
0xae: {  	v45 =	vor.u32 $0x5, v2;
	v3 =	vld.idx.msk [tilespmem:v44+s2+$0x0], $0xffff  }
0xaf: {  	v46 =	vor.u32 $0x6, v1;
	_ =	sdelay $0x3  }
0xb0: {  	[tilespmem:v45+s10+$0x0] =	vst.idx.msk $0xffff, v3  }
0xb1: {  	v47 =	vor.u32 $0x6, v2;
	v3 =	vld.idx.msk [tilespmem:v46+s2+$0x0], $0xffff  }
0xb2: {  	v48 =	vor.u32 $0x7, v1;
	_ =	sdelay $0x3  }
0xb3: {  	[tilespmem:v47+s10+$0x0] =	vst.idx.msk $0xffff, v3  }
0xb4: {  	v49 =	vor.u32 $0x7, v2;
	v3 =	vld.idx.msk [tilespmem:v48+s2+$0x0], $0xffff  }
0xb5: {  	v50 =	vor.u32 $0x8, v1;
	_ =	sdelay $0x3  }
0xb6: {  	[tilespmem:v49+s10+$0x0] =	vst.idx.msk $0xffff, v3  }
0xb7: {  	v51 =	vor.u32 $0x8, v2;
	v3 =	vld.idx.msk [tilespmem:v50+s2+$0x0], $0xffff  }
0xb8: {  	v52 =	vor.u32 $0x9, v1;
	_ =	sdelay $0x3  }
0xb9: {  	[tilespmem:v51+s10+$0x0] =	vst.idx.msk $0xffff, v3  }
0xba: {  	v53 =	vor.u32 $0x9, v2;
	v3 =	vld.idx.msk [tilespmem:v52+s2+$0x0], $0xffff  }
0xbb: {  	v54 =	vor.u32 $0xA, v1;
	_ =	sdelay $0x3  }
0xbc: {  	[tilespmem:v53+s10+$0x0] =	vst.idx.msk $0xffff, v3  }
0xbd: {  	v55 =	vor.u32 $0xA, v2;
	v3 =	vld.idx.msk [tilespmem:v54+s2+$0x0], $0xffff  }
0xbe: {  	v56 =	vor.u32 $0xB, v1;
	_ =	sdelay $0x3  }
0xbf: {  	[tilespmem:v55+s10+$0x0] =	vst.idx.msk $0xffff, v3  }
0xc0: {  	v57 =	vor.u32 $0xB, v2;
	v3 =	vld.idx.msk [tilespmem:v56+s2+$0x0], $0xffff  }
0xc1: {  	v58 =	vor.u32 $0xC, v1;
	_ =	sdelay $0x3  }
0xc2: {  	[tilespmem:v57+s10+$0x0] =	vst.idx.msk $0xffff, v3  }
0xc3: {  	v59 =	vor.u32 $0xC, v2;
	v3 =	vld.idx.msk [tilespmem:v58+s2+$0x0], $0xffff  }
0xc4: {  	v60 =	vor.u32 $0xD, v1;
	_ =	sdelay $0x3  }
0xc5: {  	[tilespmem:v59+s10+$0x0] =	vst.idx.msk $0xffff, v3  }
0xc6: {  	v61 =	vor.u32 $0xD, v2;
	v3 =	vld.idx.msk [tilespmem:v60+s2+$0x0], $0xffff  }
0xc7: {  	v62 =	vor.u32 $0xE, v1;
	_ =	sdelay $0x3  }
0xc8: {  	[tilespmem:v61+s10+$0x0] =	vst.idx.msk $0xffff, v3  }
0xc9: {  	v63 =	vor.u32 $0xE, v2;
	v3 =	vld.idx.msk [tilespmem:v62+s2+$0x0], $0xffff  }
0xca: {  	v1 =	vor.u32 $0xF, v1;
	_ =	sdelay $0x3  }
0xcb: {  	[tilespmem:v63+s10+$0x0] =	vst.idx.msk $0xffff, v3  }
0xcc: {  	s17 =	sor.u32 $0x1, s17;
	s19 =	smov.u32 s15;
	s18 =	simm.s32 $0x10;
	v2 =	vor.u32 $0xF, v2;
	v1 =	vld.idx.msk [tilespmem:v1+s2+$0x0], $0xffff  }
.LBB2_5:
0xcd: {  	_ =	sdelay $0x2  }
0xce: {  	p0 =	sne.s32 s18, $0x3F0  }
0xcf: {  	s19 =	sadd.s32 $0x10, s19;
	s20 =	smov.u32 s18;
	s18 =	sadd.s32 $0x10, s18;
	[tilespmem:v2+s10+$0x0] =	vst.idx.msk $0xffff, v1  }
0xd0: {  	v1 =	vld [tilespmem:s19+$0x0];
	_ =	sdelay $0x4  }
0xd1: {  	v1 =	vshll.u32 v1, $0x4;
	_ =	sdelay $0x3  }
0xd2: {  	v2 =	vmov s20  }
0xd3: {  	v2 =	vshll.u32 v2, $0x4;
	v3 =	vld.idx.msk [tilespmem:v1+s2+$0x0], $0xffff  }
0xd4: {  	v2 =	vor.u32 v0, v2  }
0xd5: {  	v4 =	vor.u32 $0x1, v1;
	_ =	sdelay $0x3  }
0xd6: {  	[tilespmem:v2+s10+$0x0] =	vst.idx.msk $0xffff, v3  }
0xd7: {  	v3 =	vld.idx.msk [tilespmem:v4+s2+$0x0], $0xffff  }
0xd8: {  	v4 =	vor.u32 $0x1, v2  }
0xd9: {  	v5 =	vor.u32 $0x2, v1;
	_ =	sdelay $0x3  }
0xda: {  	[tilespmem:v4+s10+$0x0] =	vst.idx.msk $0xffff, v3  }
0xdb: {  	v3 =	vld.idx.msk [tilespmem:v5+s2+$0x0], $0xffff  }
0xdc: {  	v4 =	vor.u32 $0x2, v2  }
0xdd: {  	v5 =	vor.u32 $0x3, v1;
	_ =	sdelay $0x3  }
0xde: {  	[tilespmem:v4+s10+$0x0] =	vst.idx.msk $0xffff, v3  }
0xdf: {  	v3 =	vld.idx.msk [tilespmem:v5+s2+$0x0], $0xffff  }
0xe0: {  	v4 =	vor.u32 $0x3, v2  }
0xe1: {  	v5 =	vor.u32 $0x4, v1;
	_ =	sdelay $0x3  }
0xe2: {  	[tilespmem:v4+s10+$0x0] =	vst.idx.msk $0xffff, v3  }
0xe3: {  	v3 =	vld.idx.msk [tilespmem:v5+s2+$0x0], $0xffff  }
0xe4: {  	v4 =	vor.u32 $0x4, v2  }
0xe5: {  	v5 =	vor.u32 $0x5, v1;
	_ =	sdelay $0x3  }
0xe6: {  	[tilespmem:v4+s10+$0x0] =	vst.idx.msk $0xffff, v3  }
0xe7: {  	v3 =	vld.idx.msk [tilespmem:v5+s2+$0x0], $0xffff  }
0xe8: {  	v4 =	vor.u32 $0x5, v2  }
0xe9: {  	v5 =	vor.u32 $0x6, v1;
	_ =	sdelay $0x3  }
0xea: {  	[tilespmem:v4+s10+$0x0] =	vst.idx.msk $0xffff, v3  }
0xeb: {  	v3 =	vld.idx.msk [tilespmem:v5+s2+$0x0], $0xffff  }
0xec: {  	v4 =	vor.u32 $0x6, v2  }
0xed: {  	v5 =	vor.u32 $0x7, v1;
	_ =	sdelay $0x3  }
0xee: {  	[tilespmem:v4+s10+$0x0] =	vst.idx.msk $0xffff, v3  }
0xef: {  	v3 =	vld.idx.msk [tilespmem:v5+s2+$0x0], $0xffff  }
0xf0: {  	v4 =	vor.u32 $0x7, v2  }
0xf1: {  	v5 =	vor.u32 $0x8, v1;
	_ =	sdelay $0x3  }
0xf2: {  	[tilespmem:v4+s10+$0x0] =	vst.idx.msk $0xffff, v3  }
0xf3: {  	v3 =	vld.idx.msk [tilespmem:v5+s2+$0x0], $0xffff  }
0xf4: {  	v4 =	vor.u32 $0x8, v2  }
0xf5: {  	v5 =	vor.u32 $0x9, v1;
	_ =	sdelay $0x3  }
0xf6: {  	[tilespmem:v4+s10+$0x0] =	vst.idx.msk $0xffff, v3  }
0xf7: {  	v3 =	vld.idx.msk [tilespmem:v5+s2+$0x0], $0xffff  }
0xf8: {  	v4 =	vor.u32 $0x9, v2  }
0xf9: {  	v5 =	vor.u32 $0xA, v1;
	_ =	sdelay $0x3  }
0xfa: {  	[tilespmem:v4+s10+$0x0] =	vst.idx.msk $0xffff, v3  }
0xfb: {  	v3 =	vld.idx.msk [tilespmem:v5+s2+$0x0], $0xffff  }
0xfc: {  	v4 =	vor.u32 $0xA, v2  }
0xfd: {  	v5 =	vor.u32 $0xB, v1;
	_ =	sdelay $0x3  }
0xfe: {  	[tilespmem:v4+s10+$0x0] =	vst.idx.msk $0xffff, v3  }
0xff: {  	v3 =	vld.idx.msk [tilespmem:v5+s2+$0x0], $0xffff  }
0x100: {  	v4 =	vor.u32 $0xB, v2  }
0x101: {  	v5 =	vor.u32 $0xC, v1;
	_ =	sdelay $0x3  }
0x102: {  	[tilespmem:v4+s10+$0x0] =	vst.idx.msk $0xffff, v3  }
0x103: {  	v3 =	vld.idx.msk [tilespmem:v5+s2+$0x0], $0xffff  }
0x104: {  	v4 =	vor.u32 $0xC, v2  }
0x105: {  	v5 =	vor.u32 $0xD, v1;
	_ =	sdelay $0x3  }
0x106: {  	[tilespmem:v4+s10+$0x0] =	vst.idx.msk $0xffff, v3  }
0x107: {  	v3 =	vld.idx.msk [tilespmem:v5+s2+$0x0], $0xffff  }
0x108: {  	v4 =	vor.u32 $0xD, v2  }
0x109: {  	v5 =	vor.u32 $0xE, v1;
	_ =	sdelay $0x3  }
0x10a: {  	[tilespmem:v4+s10+$0x0] =	vst.idx.msk $0xffff, v3  }
0x10b: {  	v3 =	vld.idx.msk [tilespmem:v5+s2+$0x0], $0xffff  }
0x10c: {  	v4 =	vor.u32 $0xE, v2  }
0x10d: {  	v1 =	vor.u32 $0xF, v1;
	_ =	sdelay $0x1  }
.Ltmp1:
0x10e: {  	(pc) =	sbr.rel @p0 .LBB2_5-.Ltmp1, $4  }
0x10f: {  	_ = 	snop  }
0x110: {  	[tilespmem:v4+s10+$0x0] =	vst.idx.msk $0xffff, v3  }
0x111: {  	v1 =	vld.idx.msk [tilespmem:v1+s2+$0x0], $0xffff  }
0x112: {  	v2 =	vor.u32 $0xF, v2  }
0x113: {  	s16 =	sadd.s32 $0x1, s16  }
0x114: {  	p0 =	sne.s32 s16, $0x6  }
.Ltmp2:
0x115: {  	s17 =	sshll.u32 s17, $0xE;
	(pc) =	sbr.rel @p0 .LBB2_2-.Ltmp2, $4  }
0x116: {  	s17 =	sadd.s32 s6, s17  }
0x117: {  	s17 =	sshrl.u32 s17, $0x3  }
0x118: {  	s14 =	sadd.s32 $0x800, s14;
	s15 =	sadd.s32 $0x800, s15;
	[tilespmem:v2+s10+$0x0] =	vst.idx.msk $0xffff, v1;
	s17 =	sadd.s32 s4, s17  }
0x119: {  	[hbm4b:s17+s2] =	stream.linear.scatter [tilespmem:s10], [sflag:$0x2], $0x4000, $0x38;
	[tilespmem:$0xB600] =	vst v63  }
0x11a: {  	s13 =	sadd.s32 $0x1, s13  }
0x11b: {  	_ =	swait.ge [sflag:s11], $0x4000;
	p0 =	sne.s32 s13, s7  }
.Ltmp3:
0x11c: {  	[sflag:s11] =	ssyncset.done $0x0;
	(pc) =	sbr.rel @p0 .LBB2_1-.Ltmp3, $4  }
0x11d: {  	[sflag:s11] =	ssyncadd.s32 $0xFFFFC000  }
0x11e: {  	_ =	swait.ge [sflag:s12], $0x4000  }
0x11f: {  	[sflag:s12] =	ssyncset.done $0x0  }
0x120: {  	[sflag:s12] =	ssyncadd.s32 $0xFFFFC000  }
0x121: {  	_ =	sfence.sel $0x180000  }
0x122: {  	[bflag:$0x0] =	sbarrier.arrive $0xFFFF  }
0x123: {  	p0 =	sne.s32 s0, $0x0;
	_ =	strace $0x90000047  }
0x124: {  	s0 =	sadd.s32 @!p0 $0x100000, s1;
	[bflag:$0x2] =	sbarrier.arrive $0xFFFF  }
0x125: {  	[sflag:s0] =	ssyncadd.tile.s32 @!p0 $0x1;
	_ =	shalt  }
.Lfunc_end2:
_tile_overlayer_lowered:
.L_overlay_start_2:
0x126: {  	(tag) =	ssettag $0x2  }
0x127: {  	s0 =	rddreg [dreg:$0x0];
	s2 =	stileid.u32  }
0x128: {  	s1 =	rddreg [dreg:$0x1];
	p0 =	sne.s32 s2, $0x0  }
0x129: {  	s3 =	rddreg [dreg:$0x2];
	[bflag:$0x3] =	sbarrier.arrive $0xFFFF;
	s2 =	simm.s32 @!p0 $0x1C03  }
0x12a: {  	[timem:s3], [sflag:s2] =	dma.local @!p0 [hbm:s0], s1  }
0x12b: {  	s0 =	simm.s32 @!p0 $0x3  }
0x12c: {  	_ =	swait.ge @!p0 [sflag:s0], s1  }
0x12d: {  	s1 =	ssub.s32 @!p0 $0x0, s1;
	[sflag:s0] =	ssyncset.done @!p0 $0x0  }
0x12e: {  	[sflag:s0] =	ssyncadd.s32 @!p0 s1  }
0x12f: {  	[bflag:$0x3] =	sbarrier.arrive $0xFFFF  }
0x130: {  	_ =	shalt  }

</sc_bundles>
